<compile_context>
chip_gen: v7x
topology: tpu7x:2x2x1
jax: 0.10.2.dev20260603
libtpu: 0.0.44.dev20260713+nightly
codegen_flags: <defaults>
</compile_context>

<pallas_src>
import functools

import jax
import jax.numpy as jnp
from jax.experimental import pallas as pl
from jax.experimental.pallas import tpu as pltpu
from jax.experimental.pallas import tpu_sc as plsc

D = 256
NQ = 256
RADIUS = 0.3
NSAMPLE = 16
EPS = 1e-5
B = 8
N = 2048

NT = 2048
GT = 2048

_INTERPRET = False


def _f32(x):
    return x.astype(jnp.float32)


def _mm_kernel(w_ref, b_ref, x_ref, y_ref):
    y = jnp.dot(w_ref[...], x_ref[0], preferred_element_type=jnp.float32)
    y_ref[0] = y + b_ref[...]


def _bn_kernel(g_ref, be_ref, m_ref, v_ref, x_ref, y_ref):
    h = (x_ref[0] - m_ref[...]) / jnp.sqrt(v_ref[...] + EPS)
    y_ref[0] = jnp.maximum(h * g_ref[...] + be_ref[...], 0.0)


def _stage1c_kernel(w3x_ref, b3x_ref, w3f_ref, b3f_ref, m1x_ref, m1f_ref,
                    xyz_ref, x_ref, h2_ref, vote_ref, k_ref):
    h2 = h2_ref[0]
    y3x = jnp.dot(w3x_ref[...], h2, preferred_element_type=jnp.float32)
    vote = xyz_ref[0] + y3x + b3x_ref[...]
    vote_ref[0] = vote
    y3f = jnp.dot(w3f_ref[...], h2, preferred_element_type=jnp.float32)
    feats = x_ref[0] + y3f + b3f_ref[...]
    nrm = jnp.sqrt(jnp.sum(feats * feats, axis=0, keepdims=True))
    feats = feats / nrm
    k = jnp.dot(m1x_ref[...], vote * (1.0 / RADIUS),
                preferred_element_type=jnp.float32)
    k = k + jnp.dot(m1f_ref[...], feats, preferred_element_type=jnp.float32)
    k_ref[0] = k


def _fps_kernel(xyz_ref, inds_ref):
    a = xyz_ref[...]
    xs = a[:, 0, :]
    ys = a[:, 1, :]
    zs = a[:, 2, :]
    iota = jax.lax.broadcasted_iota(jnp.int32, (B, N), 1)
    lane_q = jax.lax.broadcasted_iota(jnp.int32, (B, NQ), 1)

    def body(i, state):
        dists, far, inds = state
        m = (lane_q == i).astype(jnp.int32)
        inds = inds * (1 - m) + far * m
        sel = iota == far
        cx = jnp.sum(jnp.where(sel, xs, 0.0), axis=1, keepdims=True)
        cy = jnp.sum(jnp.where(sel, ys, 0.0), axis=1, keepdims=True)
        cz = jnp.sum(jnp.where(sel, zs, 0.0), axis=1, keepdims=True)
        dx = xs - cx
        dy = ys - cy
        dz = zs - cz
        d = dx * dx + dy * dy + dz * dz
        dists = jnp.minimum(dists, d)
        m = jnp.max(dists, axis=1, keepdims=True)
        far = jnp.min(jnp.where(dists == m, iota, N), axis=1, keepdims=True)
        return dists, far, inds

    sub_n = jax.lax.broadcasted_iota(jnp.int32, (B, N), 0)
    sub_q = jax.lax.broadcasted_iota(jnp.int32, (B, NQ), 0)
    dists0 = jnp.maximum((iota + sub_n).astype(jnp.float32), 1e10)
    far0 = jnp.minimum(jax.lax.broadcasted_iota(jnp.int32, (B, 1), 0), 0)
    inds0 = lane_q + sub_q
    _, _, inds = jax.lax.fori_loop(0, NQ, body, (dists0, far0, inds0))
    inds_ref[...] = inds


def _ballquery_kernel(m1x_ref, vote_ref, inds_ref, new_ref, c2_ref, idx_ref):
    v = vote_ref[0]
    indsb = inds_ref[0]
    iota_nq = jax.lax.broadcasted_iota(jnp.int32, (N, NQ), 0)
    oht = jnp.where(iota_nq == indsb, 1.0, 0.0)
    new2 = jax.lax.dot_general(
        oht, v, (((0,), (1,)), ((), ())),
        preferred_element_type=jnp.float32,
        precision=jax.lax.Precision.HIGHEST)
    new_ref[0] = new2
    c2 = jax.lax.dot_general(
        new2 * (1.0 / RADIUS), m1x_ref[...], (((1,), (1,)), ((), ())),
        preferred_element_type=jnp.float32)
    c2_ref[0] = c2

    dx = new2[:, 0:1] - v[0:1, :]
    dy = new2[:, 1:2] - v[1:2, :]
    dz = new2[:, 2:3] - v[2:3, :]
    d2 = dx * dx + dy * dy + dz * dz
    mask = d2 < RADIUS * RADIUS
    iota_n = jax.lax.broadcasted_iota(jnp.int32, (NQ, N), 1)
    lane_s = jax.lax.broadcasted_iota(jnp.int32, (NQ, NSAMPLE), 1)
    idxs = jnp.zeros((NQ, NSAMPLE), dtype=jnp.int32)
    for j in range(NSAMPLE):
        cur = jnp.min(jnp.where(mask, iota_n, N), axis=1, keepdims=True)
        idxs = jnp.where(lane_s == j, cur, idxs)
        mask = jnp.logical_and(mask, iota_n != cur)
    first = idxs[:, 0:1]
    idxs = jnp.where(idxs == N, first, idxs)
    idxs = jnp.where(idxs == N, 0, idxs)
    idx_ref[0] = idxs


def _sc_gather(table, idx):
    info = plsc.get_sparse_core_info()
    nw = info.num_cores * info.num_subcores
    m = idx.shape[0]
    d = table.shape[1]
    b_per_w = m // nw
    ch = min(b_per_w, 256)
    nch = b_per_w // ch
    mesh = plsc.VectorSubcoreMesh(core_axis_name="c", subcore_axis_name="s")

    @functools.partial(
        pl.kernel, mesh=mesh,
        out_type=jax.ShapeDtypeStruct((m, d), jnp.float32),
        scratch_types=[
            pltpu.VMEM((ch,), jnp.int32),
            pltpu.VMEM((ch, d), jnp.float32),
            pltpu.SemaphoreType.DMA,
        ],
    )
    def k(table_hbm, idx_hbm, out_hbm, idx_v, rows_v, sem):
        wid = jax.lax.axis_index("s") * info.num_cores + jax.lax.axis_index("c")
        base = wid * b_per_w
        for c in range(nch):
            off = base + c * ch
            pltpu.sync_copy(idx_hbm.at[pl.ds(off, ch)], idx_v)
            pltpu.async_copy(table_hbm.at[idx_v], rows_v, sem).wait()
            pltpu.sync_copy(rows_v, out_hbm.at[pl.ds(off, ch)])

    return k(table, idx)


def _y1_corr_kernel(mb1_ref, g_ref, c2_ref, y_ref, s_ref, q_ref):
    t = pl.program_id(0)
    qtile = GT // NSAMPLE
    c2 = c2_ref[...]
    e = jnp.reshape(jnp.broadcast_to(c2[:, None, :], (qtile, NSAMPLE, D)),
                    (GT, D))
    y = g_ref[...] - e + mb1_ref[...]
    y_ref[...] = y

    @pl.when(t == 0)
    def _():
        s_ref[...] = jnp.zeros_like(s_ref)
        q_ref[...] = jnp.zeros_like(q_ref)

    s_ref[...] += jnp.sum(y, axis=0, keepdims=True)
    q_ref[...] += jnp.sum(y * y, axis=0, keepdims=True)


def _bn_mm_stats_pm_kernel(count, w_ref, b_ref, g_ref, be_ref,
                           sin_ref, qin_ref, x_ref, y_ref, s_ref, q_ref):
    t = pl.program_id(0)
    mean = sin_ref[...] / count
    var = qin_ref[...] / count - mean * mean
    rstd = jax.lax.rsqrt(var + EPS)
    h = jnp.maximum((x_ref[...] - mean) * rstd * g_ref[...] + be_ref[...], 0.0)
    y = jax.lax.dot_general(h, w_ref[...], (((1,), (1,)), ((), ())),
                            preferred_element_type=jnp.float32) + b_ref[...]
    y_ref[...] = y

    @pl.when(t == 0)
    def _():
        s_ref[...] = jnp.zeros_like(s_ref)
        q_ref[...] = jnp.zeros_like(q_ref)

    s_ref[...] += jnp.sum(y, axis=0, keepdims=True)
    q_ref[...] += jnp.sum(y * y, axis=0, keepdims=True)


def _bn_mm_pool_pm_kernel(count, w_ref, b_ref, g_ref, be_ref,
                          sin_ref, qin_ref, x_ref, p_ref, s_ref, q_ref):
    t = pl.program_id(0)
    mean = sin_ref[...] / count
    var = qin_ref[...] / count - mean * mean
    rstd = jax.lax.rsqrt(var + EPS)
    h = jnp.maximum((x_ref[...] - mean) * rstd * g_ref[...] + be_ref[...], 0.0)
    y = jax.lax.dot_general(h, w_ref[...], (((1,), (1,)), ((), ())),
                            preferred_element_type=jnp.float32) + b_ref[...]

    @pl.when(t == 0)
    def _():
        s_ref[...] = jnp.zeros_like(s_ref)
        q_ref[...] = jnp.zeros_like(q_ref)

    s_ref[...] += jnp.sum(y, axis=0, keepdims=True)
    q_ref[...] += jnp.sum(y * y, axis=0, keepdims=True)
    p_ref[...] = jnp.max(
        jnp.reshape(y, (GT // NSAMPLE, NSAMPLE, D)), axis=1)


def _final_bn_pm_kernel(count, g_ref, be_ref, sin_ref, qin_ref, x_ref, o_ref):
    mean = sin_ref[...] / count
    var = qin_ref[...] / count - mean * mean
    rstd = jax.lax.rsqrt(var + EPS)
    o_ref[...] = jnp.maximum(
        (x_ref[...] - mean) * rstd * g_ref[...] + be_ref[...], 0.0)


def _col(v):
    return jnp.reshape(v, (-1, 1))


def kernel(encode_xyz, encode_features, W1, b1, g1, be1, W2, b2, g2, be2,
           W3, b3, M1, mb1, mg1, mbe1, M2, mb2, mg2, mbe2, M3, mb3, mg3, mbe3):
    f = _f32
    xyzT = jnp.transpose(f(encode_xyz), (0, 2, 1))
    xyz_pad = jnp.pad(xyzT, ((0, 0), (0, 5), (0, 0)))
    x = f(encode_features)

    W3x = jnp.pad(f(W3)[0:3, :], ((0, 5), (0, 0)))
    b3x = jnp.pad(_col(f(b3))[0:3], ((0, 5), (0, 0)))
    W3f = f(W3)[3:3 + D, :]
    b3f = _col(f(b3))[3:3 + D]
    M1x = jnp.pad(f(M1)[:, 0:3], ((0, 0), (0, 5)))
    M1f = f(M1)[:, 3:3 + D]

    stat = jax.ShapeDtypeStruct((D, 1), jnp.float32)
    col = lambda a: jnp.reshape(f(a), (D, 1))
    n_tiles = N // NT
    cnt4 = float(B * NQ * NSAMPLE)

    vspec = pl.BlockSpec((D, 1), lambda b, t: (0, 0))
    wspec = pl.BlockSpec((D, D), lambda b, t: (0, 0))
    xspec = pl.BlockSpec((1, D, NT), lambda b, t: (b, 0, t))

    y1 = pl.pallas_call(
        _mm_kernel,
        grid=(B, n_tiles),
        in_specs=[wspec, vspec, xspec],
        out_specs=xspec,
        out_shape=jax.ShapeDtypeStruct((B, D, N), jnp.float32),
        interpret=_INTERPRET,
    )(f(W1), col(b1), x)

    y1e = jnp.einsum('oc,bcn->bon', f(W1), x) + f(b1)[None, :, None]
    m1k = jnp.mean(y1e, axis=(0, 2), keepdims=True)
    v1k = jnp.var(y1e, axis=(0, 2), keepdims=True)
    m1s = jnp.reshape(m1k, (D, 1))
    v1s = jnp.reshape(v1k, (D, 1))

    def bn_call(g, be, m, v, y):
        return pl.pallas_call(
            _bn_kernel,
            grid=(B, n_tiles),
            in_specs=[vspec, vspec, vspec, vspec, xspec],
            out_specs=xspec,
            out_shape=jax.ShapeDtypeStruct((B, D, N), jnp.float32),
            interpret=_INTERPRET,
        )(g, be, m, v, y)

    h1 = bn_call(col(g1), col(be1), m1s, v1s, y1)

    y2 = pl.pallas_call(
        _mm_kernel,
        grid=(B, n_tiles),
        in_specs=[wspec, vspec, xspec],
        out_specs=xspec,
        out_shape=jax.ShapeDtypeStruct((B, D, N), jnp.float32),
        interpret=_INTERPRET,
    )(f(W2), col(b2), h1)

    y2e = jnp.einsum('oc,bcn->bon', f(W2), h1) + f(b2)[None, :, None]
    m2k = jnp.mean(y2e, axis=(0, 2), keepdims=True)
    v2k = jnp.var(y2e, axis=(0, 2), keepdims=True)
    m2s = jnp.reshape(m2k, (D, 1))
    v2s = jnp.reshape(v2k, (D, 1))

    h2 = bn_call(col(g2), col(be2), m2s, v2s, y2)

    pspec = pl.BlockSpec((1, 8, NT), lambda b, t: (b, 0, t))
    vote_pad, kfeat = pl.pallas_call(
        _stage1c_kernel,
        grid=(B, n_tiles),
        in_specs=[pl.BlockSpec((8, D), lambda b, t: (0, 0)),
                  pl.BlockSpec((8, 1), lambda b, t: (0, 0)),
                  wspec, vspec,
                  pl.BlockSpec((D, 8), lambda b, t: (0, 0)),
                  wspec, pspec, xspec, xspec],
        out_specs=[pspec, xspec],
        out_shape=[jax.ShapeDtypeStruct((B, 8, N), jnp.float32),
                   jax.ShapeDtypeStruct((B, D, N), jnp.float32)],
        interpret=_INTERPRET,
    )(W3x, b3x, W3f, b3f, M1x, M1f, xyz_pad, x, h2)

    inds = pl.pallas_call(
        _fps_kernel,
        in_specs=[pl.BlockSpec((B, 8, N), lambda: (0, 0, 0))],
        out_specs=pl.BlockSpec((B, NQ), lambda: (0, 0)),
        out_shape=jax.ShapeDtypeStruct((B, NQ), jnp.int32),
        interpret=_INTERPRET,
    )(xyz_pad)

    inds3 = jnp.reshape(inds, (B, 1, NQ))
    new_pad, c2m, idx = pl.pallas_call(
        _ballquery_kernel,
        grid=(B,),
        in_specs=[pl.BlockSpec((D, 8), lambda b: (0, 0)),
                  pl.BlockSpec((1, 8, N), lambda b: (b, 0, 0)),
                  pl.BlockSpec((1, 1, NQ), lambda b: (b, 0, 0))],
        out_specs=[pl.BlockSpec((1, NQ, 8), lambda b: (b, 0, 0)),
                   pl.BlockSpec((1, NQ, D), lambda b: (b, 0, 0)),
                   pl.BlockSpec((1, NQ, NSAMPLE), lambda b: (b, 0, 0))],
        out_shape=[jax.ShapeDtypeStruct((B, NQ, 8), jnp.float32),
                   jax.ShapeDtypeStruct((B, NQ, D), jnp.float32),
                   jax.ShapeDtypeStruct((B, NQ, NSAMPLE), jnp.int32)],
        interpret=_INTERPRET,
    )(M1x, vote_pad, inds3)

    npts = B * NQ * NSAMPLE
    g_tiles = npts // GT
    qtile = GT // NSAMPLE

    ktab = jnp.reshape(jnp.transpose(kfeat, (0, 2, 1)), (B * N, D))
    idx_glob = jnp.reshape(
        idx + (jnp.arange(B, dtype=jnp.int32) * N)[:, None, None], (npts,))
    grows = _sc_gather(ktab, idx_glob)

    c2flat = jnp.reshape(c2m, (B * NQ, D))
    rvec = pl.BlockSpec((1, D), lambda t: (0, 0))
    ptile = pl.BlockSpec((GT, D), lambda t: (t, 0))
    stat4 = jax.ShapeDtypeStruct((1, D), jnp.float32)
    row = lambda a: jnp.reshape(f(a), (1, D))

    y1g, s41, q41 = pl.pallas_call(
        _y1_corr_kernel,
        grid=(g_tiles,),
        in_specs=[rvec, ptile, pl.BlockSpec((qtile, D), lambda t: (t, 0))],
        out_specs=[ptile, rvec, rvec],
        out_shape=[jax.ShapeDtypeStruct((npts, D), jnp.float32), stat4, stat4],
        interpret=_INTERPRET,
    )(row(mb1), grows, c2flat)

    wfull = pl.BlockSpec((D, D), lambda t: (0, 0))
    y2g, s42, q42 = pl.pallas_call(
        functools.partial(_bn_mm_stats_pm_kernel, cnt4),
        grid=(g_tiles,),
        in_specs=[wfull, rvec, rvec, rvec, rvec, rvec, ptile],
        out_specs=[ptile, rvec, rvec],
        out_shape=[jax.ShapeDtypeStruct((npts, D), jnp.float32), stat4, stat4],
        interpret=_INTERPRET,
    )(f(M2), row(mb2), row(mg1), row(mbe1), s41, q41, y1g)

    pooled, s43, q43 = pl.pallas_call(
        functools.partial(_bn_mm_pool_pm_kernel, cnt4),
        grid=(g_tiles,),
        in_specs=[wfull, rvec, rvec, rvec, rvec, rvec, ptile],
        out_specs=[pl.BlockSpec((qtile, D), lambda t: (t, 0)), rvec, rvec],
        out_shape=[jax.ShapeDtypeStruct((B * NQ, D), jnp.float32),
                   stat4, stat4],
        interpret=_INTERPRET,
    )(f(M3), row(mb3), row(mg2), row(mbe2), s42, q42, y2g)

    qf_pm = pl.pallas_call(
        functools.partial(_final_bn_pm_kernel, cnt4),
        grid=(1,),
        in_specs=[rvec, rvec, rvec, rvec,
                  pl.BlockSpec((B * NQ, D), lambda t: (0, 0))],
        out_specs=pl.BlockSpec((B * NQ, D), lambda t: (0, 0)),
        out_shape=jax.ShapeDtypeStruct((B * NQ, D), jnp.float32),
        interpret=_INTERPRET,
    )(row(mg3), row(mbe3), s43, q43, pooled)

    qf = jnp.transpose(jnp.reshape(qf_pm, (B, NQ, D)), (0, 2, 1))
    vote_xyz = jnp.transpose(vote_pad[:, 0:3, :], (0, 2, 1))
    new_xyz = new_pad[:, :, 0:3]
    return vote_xyz, encode_xyz, new_xyz, qf

# --- scband reference (transcript-rebuilt; emitter-appended) ---
"""Pipeline reference for scband-vote-query-84705345012393 (READ-ONLY COPY).

The authoritative reference and input builder live on the scoring server;
editing this copy changes nothing except your own understanding.
"""

import jax, jax.numpy as jnp
import numpy as np

D = 256
NQ = 256
RADIUS = 0.3
NSAMPLE = 16
EPS = 1e-5
B = 8
N = 2048

def setup_inputs(seed: int = 0):
    key = jax.random.key(seed)
    ks = jax.random.split(key, 16)
    def w(k, shape):
        return jax.random.normal(k, shape, dtype=jnp.float32) * 0.05
    inp = {}
    inp['encode_xyz'] = jax.random.uniform(ks[0], (B, N, 3), dtype=jnp.float32)
    inp['encode_features'] = jax.random.normal(ks[1], (B, D, N), dtype=jnp.float32)
    inp['W1'] = w(ks[2], (D, D)); inp['b1'] = jnp.zeros((D,), jnp.float32)
    inp['g1'] = jnp.ones((D,), jnp.float32); inp['be1'] = jnp.zeros((D,), jnp.float32)
    inp['W2'] = w(ks[3], (D, D)); inp['b2'] = jnp.zeros((D,), jnp.float32)
    inp['g2'] = jnp.ones((D,), jnp.float32); inp['be2'] = jnp.zeros((D,), jnp.float32)
    inp['W3'] = w(ks[4], (3 + D, D)); inp['b3'] = jnp.zeros((3 + D,), jnp.float32)
    inp['M1'] = w(ks[5], (D, D + 3)); inp['mb1'] = jnp.zeros((D,), jnp.float32)
    inp['mg1'] = jnp.ones((D,), jnp.float32); inp['mbe1'] = jnp.zeros((D,), jnp.float32)
    inp['M2'] = w(ks[6], (D, D)); inp['mb2'] = jnp.zeros((D,), jnp.float32)
    inp['mg2'] = jnp.ones((D,), jnp.float32); inp['mbe2'] = jnp.zeros((D,), jnp.float32)
    inp['M3'] = w(ks[7], (D, D)); inp['mb3'] = jnp.zeros((D,), jnp.float32)
    inp['mg3'] = jnp.ones((D,), jnp.float32); inp['mbe3'] = jnp.zeros((D,), jnp.float32)
    return inp

def _conv1(x, Wt, bb):
    return jnp.einsum('oc,bcn->bon', Wt, x) + bb[None, :, None]

def _bn1(x, gm, bt):
    mean = jnp.mean(x, axis=(0, 2), keepdims=True)
    var = jnp.var(x, axis=(0, 2), keepdims=True)
    return (x - mean) / jnp.sqrt(var + EPS) * gm[None, :, None] + bt[None, :, None]

def _bn2(x, gm, bt):
    mean = jnp.mean(x, axis=(0, 1, 2), keepdims=True)
    var = jnp.var(x, axis=(0, 1, 2), keepdims=True)
    return (x - mean) / jnp.sqrt(var + EPS) * gm + bt

def _fps(xyz, npoint):
    b, n, _ = xyz.shape
    def body(i, state):
        inds, dists, far = state
        inds = inds.at[:, i].set(far)
        centroid = xyz[jnp.arange(b), far]
        d = jnp.sum((xyz - centroid[:, None, :]) ** 2, axis=-1)
        dists = jnp.minimum(dists, d)
        far = jnp.argmax(dists, axis=1).astype(jnp.int32)
        return inds, dists, far
    inds0 = jnp.zeros((b, npoint), dtype=jnp.int32)
    dists0 = jnp.full((b, n), 1e10, dtype=jnp.float32)
    far0 = jnp.zeros((b,), dtype=jnp.int32)
    inds, _, _ = jax.lax.fori_loop(0, npoint, body, (inds0, dists0, far0))
    return inds

def _ball_query(xyz, new_xyz):
    n = xyz.shape[1]
    d2 = jnp.sum((new_xyz[:, :, None, :] - xyz[:, None, :, :]) ** 2, axis=-1)
    mask = d2 < RADIUS ** 2
    cand = jnp.where(mask, jnp.arange(n)[None, None, :], n)
    srt = jnp.sort(cand, axis=-1)[..., :NSAMPLE]
    first = srt[..., :1]
    idx = jnp.where(srt == n, first, srt)
    idx = jnp.where(idx == n, 0, idx)
    return idx

def _gather(x, idx):
    return jax.vmap(lambda a, i: a[i])(x, idx)

def reference(encode_xyz, encode_features, W1, b1, g1, be1, W2, b2, g2, be2, W3, b3, M1, mb1, mg1, mbe1, M2, mb2, mg2, mbe2, M3, mb3, mg3, mbe3):
    h = jax.nn.relu(_bn1(_conv1(encode_features, W1, b1), g1, be1))
    h = jax.nn.relu(_bn1(_conv1(h, W2, b2), g2, be2))
    out = _conv1(h, W3, b3)
    vote_xyz = encode_xyz + jnp.transpose(out[:, :3, :], (0, 2, 1))
    feats = encode_features + out[:, 3:, :]
    nrm = jnp.linalg.norm(feats, ord=2, axis=1, keepdims=True)
    feats = feats / nrm
    inds = _fps(jax.lax.stop_gradient(encode_xyz), NQ)
    new_xyz = _gather(vote_xyz, inds)
    idx = _ball_query(jax.lax.stop_gradient(vote_xyz), jax.lax.stop_gradient(new_xyz))
    grouped_xyz = (_gather(vote_xyz, idx) - new_xyz[:, :, None, :]) / RADIUS
    grouped_feats = _gather(jnp.transpose(feats, (0, 2, 1)), idx)
    g = jnp.concatenate([grouped_xyz, grouped_feats], axis=-1)
    h = jax.nn.relu(_bn2(jnp.einsum('oc,bqsc->bqso', M1, g) + mb1, mg1, mbe1))
    h = jax.nn.relu(_bn2(jnp.einsum('oc,bqsc->bqso', M2, h) + mb2, mg2, mbe2))
    h = jax.nn.relu(_bn2(jnp.einsum('oc,bqsc->bqso', M3, h) + mb3, mg3, mbe3))
    query_features = jnp.transpose(jnp.max(h, axis=2), (0, 2, 1))
    return vote_xyz, encode_xyz, new_xyz, query_features

if __name__ == "__main__":
    import jax
    _d = setup_inputs()
    print(jax.jit(kernel)(*tuple(_d.values())))

</pallas_src>

<mosaic_0001>
#map = affine_map<(d0, d1) -> (0, 0)>
#map1 = affine_map<(d0, d1) -> (0)>
module attributes {stable_mosaic.version = 14 : i64} {
  func.func @k(%arg0: i32, %arg1: i32, %arg2: memref<16384x256xf32, #tpu.memory_space<hbm>>, %arg3: memref<32768xi32, #tpu.memory_space<hbm>>, %arg4: memref<32768x256xf32, #tpu.memory_space<hbm>>, %arg5: memref<256xi32, #tpu.memory_space<vmem>>, %arg6: memref<256x256xf32, #tpu.memory_space<vmem>>, %arg7: memref<!tpu.dma_semaphore, #tpu.memory_space<semaphore_mem>>) attributes {dimension_semantics = [#tpu.dimension_semantics<core_parallel>, #tpu.dimension_semantics<subcore_parallel>], iteration_bounds = array<i64: 2, 16>, scalar_prefetch = 0 : i64, scratch_operands = 3 : i64, tpu.core_type = #tpu.core_type<sc_vector_subcore>, window_params = [{transform_indices = #map}, {transform_indices = #map1}, {transform_indices = #map}]} {
    %mul3A = arith.constant 2 : i32
    %mul3A_0 = arith.muli %arg1, %mul3A : i32
    %add3A = arith.addi %mul3A_0, %arg0 : i32
    %mul3A_1 = arith.constant 1024 : i32
    %mul3A_2 = arith.muli %add3A, %mul3A_1 : i32
    %add3A_3 = arith.constant 0 : i32
    %add3A_4 = arith.addi %mul3A_2, %add3A_3 : i32
    "tpu.region"() ({
      %run_scoped3A = tpu.sem_alloc : memref<!tpu.dma_semaphore, #tpu.memory_space<semaphore_mem>>
      %dma_start3A_33 = tpu.memref_slice %arg3[%add3A_4] : memref<32768xi32, #tpu.memory_space<hbm>> -> memref<256xi32, #tpu.memory_space<hbm>>
      %dma_start3A_34 = tpu.memref_slice %arg3[%add3A_4] : memref<32768xi32, #tpu.memory_space<hbm>> -> memref<256xi32, #tpu.memory_space<hbm>>
      tpu.enqueue_dma source(%dma_start3A_34 : memref<256xi32, #tpu.memory_space<hbm>>) target(%arg5 : memref<256xi32, #tpu.memory_space<vmem>>) target_semaphore(%run_scoped3A : memref<!tpu.dma_semaphore, #tpu.memory_space<semaphore_mem>>)
      %dma_wait3A_35 = tpu.memref_slice %arg3[%add3A_4] : memref<32768xi32, #tpu.memory_space<hbm>> -> memref<256xi32, #tpu.memory_space<hbm>>
      %dma_wait3A_36 = tpu.memref_slice %arg3[%add3A_4] : memref<32768xi32, #tpu.memory_space<hbm>> -> memref<256xi32, #tpu.memory_space<hbm>>
      tpu.wait_dma2 semaphore(%run_scoped3A : memref<!tpu.dma_semaphore, #tpu.memory_space<semaphore_mem>>) src(%dma_wait3A_36 : memref<256xi32, #tpu.memory_space<hbm>>) dst(%arg5 : memref<256xi32, #tpu.memory_space<vmem>>)
      tpu.yield
    }) : () -> ()
    %dma_start3A = arith.constant 0 : i32
    %dma_start3A_5 = arith.constant 0 : i32
    %dma_start3A_6 = tpu.memref_slice %arg2[%dma_start3A, %dma_start3A_5] : memref<16384x256xf32, #tpu.memory_space<hbm>> -> memref<16384x256xf32, #tpu.memory_space<hbm>>
    tpu.enqueue_indirect_dma source(%dma_start3A_6 : memref<16384x256xf32, #tpu.memory_space<hbm>>) target(%arg6 : memref<256x256xf32, #tpu.memory_space<vmem>>) offsets(%arg5 : memref<256xi32, #tpu.memory_space<vmem>>) semaphore(%arg7 : memref<!tpu.dma_semaphore, #tpu.memory_space<semaphore_mem>>)
    %dma_wait3A = arith.constant 0 : i32
    %dma_wait3A_7 = arith.constant 0 : i32
    %dma_wait3A_8 = tpu.memref_slice %arg2[%dma_wait3A, %dma_wait3A_7] : memref<16384x256xf32, #tpu.memory_space<hbm>> -> memref<16384x256xf32, #tpu.memory_space<hbm>>
    tpu.wait_indirect_dma semaphore(%arg7 : memref<!tpu.dma_semaphore, #tpu.memory_space<semaphore_mem>>) src(%dma_wait3A_8 : memref<16384x256xf32, #tpu.memory_space<hbm>>) dst(%arg6 : memref<256x256xf32, #tpu.memory_space<vmem>>)
    "tpu.region"() ({
      %run_scoped3A = tpu.sem_alloc : memref<!tpu.dma_semaphore, #tpu.memory_space<semaphore_mem>>
      %dma_start3A_33 = arith.constant 0 : i32
      %dma_start3A_34 = tpu.memref_slice %arg4[%add3A_4, %dma_start3A_33] : memref<32768x256xf32, #tpu.memory_space<hbm>> -> memref<256x256xf32, #tpu.memory_space<hbm>>
      %dma_start3A_35 = arith.constant 0 : i32
      %dma_start3A_36 = tpu.memref_slice %arg4[%add3A_4, %dma_start3A_35] : memref<32768x256xf32, #tpu.memory_space<hbm>> -> memref<256x256xf32, #tpu.memory_space<hbm>>
      tpu.enqueue_dma source(%arg6 : memref<256x256xf32, #tpu.memory_space<vmem>>) target(%dma_start3A_36 : memref<256x256xf32, #tpu.memory_space<hbm>>) target_semaphore(%run_scoped3A : memref<!tpu.dma_semaphore, #tpu.memory_space<semaphore_mem>>)
      %dma_wait3A_37 = arith.constant 0 : i32
      %dma_wait3A_38 = tpu.memref_slice %arg4[%add3A_4, %dma_wait3A_37] : memref<32768x256xf32, #tpu.memory_space<hbm>> -> memref<256x256xf32, #tpu.memory_space<hbm>>
      %dma_wait3A_39 = arith.constant 0 : i32
      %dma_wait3A_40 = tpu.memref_slice %arg4[%add3A_4, %dma_wait3A_39] : memref<32768x256xf32, #tpu.memory_space<hbm>> -> memref<256x256xf32, #tpu.memory_space<hbm>>
      tpu.wait_dma2 semaphore(%run_scoped3A : memref<!tpu.dma_semaphore, #tpu.memory_space<semaphore_mem>>) src(%arg6 : memref<256x256xf32, #tpu.memory_space<vmem>>) dst(%dma_wait3A_40 : memref<256x256xf32, #tpu.memory_space<hbm>>)
      tpu.yield
    }) : () -> ()
    %add3A_9 = arith.constant 256 : i32
    %add3A_10 = arith.addi %mul3A_2, %add3A_9 : i32
    "tpu.region"() ({
      %run_scoped3A = tpu.sem_alloc : memref<!tpu.dma_semaphore, #tpu.memory_space<semaphore_mem>>
      %dma_start3A_33 = tpu.memref_slice %arg3[%add3A_10] : memref<32768xi32, #tpu.memory_space<hbm>> -> memref<256xi32, #tpu.memory_space<hbm>>
      %dma_start3A_34 = tpu.memref_slice %arg3[%add3A_10] : memref<32768xi32, #tpu.memory_space<hbm>> -> memref<256xi32, #tpu.memory_space<hbm>>
      tpu.enqueue_dma source(%dma_start3A_34 : memref<256xi32, #tpu.memory_space<hbm>>) target(%arg5 : memref<256xi32, #tpu.memory_space<vmem>>) target_semaphore(%run_scoped3A : memref<!tpu.dma_semaphore, #tpu.memory_space<semaphore_mem>>)
      %dma_wait3A_35 = tpu.memref_slice %arg3[%add3A_10] : memref<32768xi32, #tpu.memory_space<hbm>> -> memref<256xi32, #tpu.memory_space<hbm>>
      %dma_wait3A_36 = tpu.memref_slice %arg3[%add3A_10] : memref<32768xi32, #tpu.memory_space<hbm>> -> memref<256xi32, #tpu.memory_space<hbm>>
      tpu.wait_dma2 semaphore(%run_scoped3A : memref<!tpu.dma_semaphore, #tpu.memory_space<semaphore_mem>>) src(%dma_wait3A_36 : memref<256xi32, #tpu.memory_space<hbm>>) dst(%arg5 : memref<256xi32, #tpu.memory_space<vmem>>)
      tpu.yield
    }) : () -> ()
    %dma_start3A_11 = arith.constant 0 : i32
    %dma_start3A_12 = arith.constant 0 : i32
    %dma_start3A_13 = tpu.memref_slice %arg2[%dma_start3A_11, %dma_start3A_12] : memref<16384x256xf32, #tpu.memory_space<hbm>> -> memref<16384x256xf32, #tpu.memory_space<hbm>>
    tpu.enqueue_indirect_dma source(%dma_start3A_13 : memref<16384x256xf32, #tpu.memory_space<hbm>>) target(%arg6 : memref<256x256xf32, #tpu.memory_space<vmem>>) offsets(%arg5 : memref<256xi32, #tpu.memory_space<vmem>>) semaphore(%arg7 : memref<!tpu.dma_semaphore, #tpu.memory_space<semaphore_mem>>)
    %dma_wait3A_14 = arith.constant 0 : i32
    %dma_wait3A_15 = arith.constant 0 : i32
    %dma_wait3A_16 = tpu.memref_slice %arg2[%dma_wait3A_14, %dma_wait3A_15] : memref<16384x256xf32, #tpu.memory_space<hbm>> -> memref<16384x256xf32, #tpu.memory_space<hbm>>
    tpu.wait_indirect_dma semaphore(%arg7 : memref<!tpu.dma_semaphore, #tpu.memory_space<semaphore_mem>>) src(%dma_wait3A_16 : memref<16384x256xf32, #tpu.memory_space<hbm>>) dst(%arg6 : memref<256x256xf32, #tpu.memory_space<vmem>>)
    "tpu.region"() ({
      %run_scoped3A = tpu.sem_alloc : memref<!tpu.dma_semaphore, #tpu.memory_space<semaphore_mem>>
      %dma_start3A_33 = arith.constant 0 : i32
      %dma_start3A_34 = tpu.memref_slice %arg4[%add3A_10, %dma_start3A_33] : memref<32768x256xf32, #tpu.memory_space<hbm>> -> memref<256x256xf32, #tpu.memory_space<hbm>>
      %dma_start3A_35 = arith.constant 0 : i32
      %dma_start3A_36 = tpu.memref_slice %arg4[%add3A_10, %dma_start3A_35] : memref<32768x256xf32, #tpu.memory_space<hbm>> -> memref<256x256xf32, #tpu.memory_space<hbm>>
      tpu.enqueue_dma source(%arg6 : memref<256x256xf32, #tpu.memory_space<vmem>>) target(%dma_start3A_36 : memref<256x256xf32, #tpu.memory_space<hbm>>) target_semaphore(%run_scoped3A : memref<!tpu.dma_semaphore, #tpu.memory_space<semaphore_mem>>)
      %dma_wait3A_37 = arith.constant 0 : i32
      %dma_wait3A_38 = tpu.memref_slice %arg4[%add3A_10, %dma_wait3A_37] : memref<32768x256xf32, #tpu.memory_space<hbm>> -> memref<256x256xf32, #tpu.memory_space<hbm>>
      %dma_wait3A_39 = arith.constant 0 : i32
      %dma_wait3A_40 = tpu.memref_slice %arg4[%add3A_10, %dma_wait3A_39] : memref<32768x256xf32, #tpu.memory_space<hbm>> -> memref<256x256xf32, #tpu.memory_space<hbm>>
      tpu.wait_dma2 semaphore(%run_scoped3A : memref<!tpu.dma_semaphore, #tpu.memory_space<semaphore_mem>>) src(%arg6 : memref<256x256xf32, #tpu.memory_space<vmem>>) dst(%dma_wait3A_40 : memref<256x256xf32, #tpu.memory_space<hbm>>)
      tpu.yield
    }) : () -> ()
    %add3A_17 = arith.constant 512 : i32
    %add3A_18 = arith.addi %mul3A_2, %add3A_17 : i32
    "tpu.region"() ({
      %run_scoped3A = tpu.sem_alloc : memref<!tpu.dma_semaphore, #tpu.memory_space<semaphore_mem>>
      %dma_start3A_33 = tpu.memref_slice %arg3[%add3A_18] : memref<32768xi32, #tpu.memory_space<hbm>> -> memref<256xi32, #tpu.memory_space<hbm>>
      %dma_start3A_34 = tpu.memref_slice %arg3[%add3A_18] : memref<32768xi32, #tpu.memory_space<hbm>> -> memref<256xi32, #tpu.memory_space<hbm>>
      tpu.enqueue_dma source(%dma_start3A_34 : memref<256xi32, #tpu.memory_space<hbm>>) target(%arg5 : memref<256xi32, #tpu.memory_space<vmem>>) target_semaphore(%run_scoped3A : memref<!tpu.dma_semaphore, #tpu.memory_space<semaphore_mem>>)
      %dma_wait3A_35 = tpu.memref_slice %arg3[%add3A_18] : memref<32768xi32, #tpu.memory_space<hbm>> -> memref<256xi32, #tpu.memory_space<hbm>>
      %dma_wait3A_36 = tpu.memref_slice %arg3[%add3A_18] : memref<32768xi32, #tpu.memory_space<hbm>> -> memref<256xi32, #tpu.memory_space<hbm>>
      tpu.wait_dma2 semaphore(%run_scoped3A : memref<!tpu.dma_semaphore, #tpu.memory_space<semaphore_mem>>) src(%dma_wait3A_36 : memref<256xi32, #tpu.memory_space<hbm>>) dst(%arg5 : memref<256xi32, #tpu.memory_space<vmem>>)
      tpu.yield
    }) : () -> ()
    %dma_start3A_19 = arith.constant 0 : i32
    %dma_start3A_20 = arith.constant 0 : i32
    %dma_start3A_21 = tpu.memref_slice %arg2[%dma_start3A_19, %dma_start3A_20] : memref<16384x256xf32, #tpu.memory_space<hbm>> -> memref<16384x256xf32, #tpu.memory_space<hbm>>
    tpu.enqueue_indirect_dma source(%dma_start3A_21 : memref<16384x256xf32, #tpu.memory_space<hbm>>) target(%arg6 : memref<256x256xf32, #tpu.memory_space<vmem>>) offsets(%arg5 : memref<256xi32, #tpu.memory_space<vmem>>) semaphore(%arg7 : memref<!tpu.dma_semaphore, #tpu.memory_space<semaphore_mem>>)
    %dma_wait3A_22 = arith.constant 0 : i32
    %dma_wait3A_23 = arith.constant 0 : i32
    %dma_wait3A_24 = tpu.memref_slice %arg2[%dma_wait3A_22, %dma_wait3A_23] : memref<16384x256xf32, #tpu.memory_space<hbm>> -> memref<16384x256xf32, #tpu.memory_space<hbm>>
    tpu.wait_indirect_dma semaphore(%arg7 : memref<!tpu.dma_semaphore, #tpu.memory_space<semaphore_mem>>) src(%dma_wait3A_24 : memref<16384x256xf32, #tpu.memory_space<hbm>>) dst(%arg6 : memref<256x256xf32, #tpu.memory_space<vmem>>)
    "tpu.region"() ({
      %run_scoped3A = tpu.sem_alloc : memref<!tpu.dma_semaphore, #tpu.memory_space<semaphore_mem>>
      %dma_start3A_33 = arith.constant 0 : i32
      %dma_start3A_34 = tpu.memref_slice %arg4[%add3A_18, %dma_start3A_33] : memref<32768x256xf32, #tpu.memory_space<hbm>> -> memref<256x256xf32, #tpu.memory_space<hbm>>
      %dma_start3A_35 = arith.constant 0 : i32
      %dma_start3A_36 = tpu.memref_slice %arg4[%add3A_18, %dma_start3A_35] : memref<32768x256xf32, #tpu.memory_space<hbm>> -> memref<256x256xf32, #tpu.memory_space<hbm>>
      tpu.enqueue_dma source(%arg6 : memref<256x256xf32, #tpu.memory_space<vmem>>) target(%dma_start3A_36 : memref<256x256xf32, #tpu.memory_space<hbm>>) target_semaphore(%run_scoped3A : memref<!tpu.dma_semaphore, #tpu.memory_space<semaphore_mem>>)
      %dma_wait3A_37 = arith.constant 0 : i32
      %dma_wait3A_38 = tpu.memref_slice %arg4[%add3A_18, %dma_wait3A_37] : memref<32768x256xf32, #tpu.memory_space<hbm>> -> memref<256x256xf32, #tpu.memory_space<hbm>>
      %dma_wait3A_39 = arith.constant 0 : i32
      %dma_wait3A_40 = tpu.memref_slice %arg4[%add3A_18, %dma_wait3A_39] : memref<32768x256xf32, #tpu.memory_space<hbm>> -> memref<256x256xf32, #tpu.memory_space<hbm>>
      tpu.wait_dma2 semaphore(%run_scoped3A : memref<!tpu.dma_semaphore, #tpu.memory_space<semaphore_mem>>) src(%arg6 : memref<256x256xf32, #tpu.memory_space<vmem>>) dst(%dma_wait3A_40 : memref<256x256xf32, #tpu.memory_space<hbm>>)
      tpu.yield
    }) : () -> ()
    %add3A_25 = arith.constant 768 : i32
    %add3A_26 = arith.addi %mul3A_2, %add3A_25 : i32
    "tpu.region"() ({
      %run_scoped3A = tpu.sem_alloc : memref<!tpu.dma_semaphore, #tpu.memory_space<semaphore_mem>>
      %dma_start3A_33 = tpu.memref_slice %arg3[%add3A_26] : memref<32768xi32, #tpu.memory_space<hbm>> -> memref<256xi32, #tpu.memory_space<hbm>>
      %dma_start3A_34 = tpu.memref_slice %arg3[%add3A_26] : memref<32768xi32, #tpu.memory_space<hbm>> -> memref<256xi32, #tpu.memory_space<hbm>>
      tpu.enqueue_dma source(%dma_start3A_34 : memref<256xi32, #tpu.memory_space<hbm>>) target(%arg5 : memref<256xi32, #tpu.memory_space<vmem>>) target_semaphore(%run_scoped3A : memref<!tpu.dma_semaphore, #tpu.memory_space<semaphore_mem>>)
      %dma_wait3A_35 = tpu.memref_slice %arg3[%add3A_26] : memref<32768xi32, #tpu.memory_space<hbm>> -> memref<256xi32, #tpu.memory_space<hbm>>
      %dma_wait3A_36 = tpu.memref_slice %arg3[%add3A_26] : memref<32768xi32, #tpu.memory_space<hbm>> -> memref<256xi32, #tpu.memory_space<hbm>>
      tpu.wait_dma2 semaphore(%run_scoped3A : memref<!tpu.dma_semaphore, #tpu.memory_space<semaphore_mem>>) src(%dma_wait3A_36 : memref<256xi32, #tpu.memory_space<hbm>>) dst(%arg5 : memref<256xi32, #tpu.memory_space<vmem>>)
      tpu.yield
    }) : () -> ()
    %dma_start3A_27 = arith.constant 0 : i32
    %dma_start3A_28 = arith.constant 0 : i32
    %dma_start3A_29 = tpu.memref_slice %arg2[%dma_start3A_27, %dma_start3A_28] : memref<16384x256xf32, #tpu.memory_space<hbm>> -> memref<16384x256xf32, #tpu.memory_space<hbm>>
    tpu.enqueue_indirect_dma source(%dma_start3A_29 : memref<16384x256xf32, #tpu.memory_space<hbm>>) target(%arg6 : memref<256x256xf32, #tpu.memory_space<vmem>>) offsets(%arg5 : memref<256xi32, #tpu.memory_space<vmem>>) semaphore(%arg7 : memref<!tpu.dma_semaphore, #tpu.memory_space<semaphore_mem>>)
    %dma_wait3A_30 = arith.constant 0 : i32
    %dma_wait3A_31 = arith.constant 0 : i32
    %dma_wait3A_32 = tpu.memref_slice %arg2[%dma_wait3A_30, %dma_wait3A_31] : memref<16384x256xf32, #tpu.memory_space<hbm>> -> memref<16384x256xf32, #tpu.memory_space<hbm>>
    tpu.wait_indirect_dma semaphore(%arg7 : memref<!tpu.dma_semaphore, #tpu.memory_space<semaphore_mem>>) src(%dma_wait3A_32 : memref<16384x256xf32, #tpu.memory_space<hbm>>) dst(%arg6 : memref<256x256xf32, #tpu.memory_space<vmem>>)
    "tpu.region"() ({
      %run_scoped3A = tpu.sem_alloc : memref<!tpu.dma_semaphore, #tpu.memory_space<semaphore_mem>>
      %dma_start3A_33 = arith.constant 0 : i32
      %dma_start3A_34 = tpu.memref_slice %arg4[%add3A_26, %dma_start3A_33] : memref<32768x256xf32, #tpu.memory_space<hbm>> -> memref<256x256xf32, #tpu.memory_space<hbm>>
      %dma_start3A_35 = arith.constant 0 : i32
      %dma_start3A_36 = tpu.memref_slice %arg4[%add3A_26, %dma_start3A_35] : memref<32768x256xf32, #tpu.memory_space<hbm>> -> memref<256x256xf32, #tpu.memory_space<hbm>>
      tpu.enqueue_dma source(%arg6 : memref<256x256xf32, #tpu.memory_space<vmem>>) target(%dma_start3A_36 : memref<256x256xf32, #tpu.memory_space<hbm>>) target_semaphore(%run_scoped3A : memref<!tpu.dma_semaphore, #tpu.memory_space<semaphore_mem>>)
      %dma_wait3A_37 = arith.constant 0 : i32
      %dma_wait3A_38 = tpu.memref_slice %arg4[%add3A_26, %dma_wait3A_37] : memref<32768x256xf32, #tpu.memory_space<hbm>> -> memref<256x256xf32, #tpu.memory_space<hbm>>
      %dma_wait3A_39 = arith.constant 0 : i32
      %dma_wait3A_40 = tpu.memref_slice %arg4[%add3A_26, %dma_wait3A_39] : memref<32768x256xf32, #tpu.memory_space<hbm>> -> memref<256x256xf32, #tpu.memory_space<hbm>>
      tpu.wait_dma2 semaphore(%run_scoped3A : memref<!tpu.dma_semaphore, #tpu.memory_space<semaphore_mem>>) src(%arg6 : memref<256x256xf32, #tpu.memory_space<vmem>>) dst(%dma_wait3A_40 : memref<256x256xf32, #tpu.memory_space<hbm>>)
      tpu.yield
    }) : () -> ()
    return
  }
}

module attributes {stable_mosaic.version = 14 : i64} {
  func.func @_fps_kernel(%arg0: memref<8x8x2048xf32, #tpu.memory_space<vmem>>, %arg1: memref<8x256xi32, #tpu.memory_space<vmem>>) attributes {dimension_semantics = [], scalar_prefetch = 0 : i64, scratch_operands = 0 : i64, tpu.core_type = #tpu.core_type<tc>} {
    %get3A = arith.constant 0 : index
    %get3A_0 = arith.constant 0 : index
    %get3A_1 = arith.constant 0 : index
    %get3A_2 = vector.load %arg0[%get3A, %get3A_0, %get3A_1] : memref<8x8x2048xf32, #tpu.memory_space<vmem>>, vector<8x8x2048xf32>
    %slice3A = vector.extract_strided_slice %get3A_2 {offsets = [0, 0, 0], sizes = [8, 1, 2048], strides = [1, 1, 1]} : vector<8x8x2048xf32> to vector<8x1x2048xf32>
    %squeeze3A = vector.shape_cast %slice3A : vector<8x1x2048xf32> to vector<8x2048xf32>
    %slice3A_3 = vector.extract_strided_slice %get3A_2 {offsets = [0, 1, 0], sizes = [8, 1, 2048], strides = [1, 1, 1]} : vector<8x8x2048xf32> to vector<8x1x2048xf32>
    %squeeze3A_4 = vector.shape_cast %slice3A_3 : vector<8x1x2048xf32> to vector<8x2048xf32>
    %slice3A_5 = vector.extract_strided_slice %get3A_2 {offsets = [0, 2, 0], sizes = [8, 1, 2048], strides = [1, 1, 1]} : vector<8x8x2048xf32> to vector<8x1x2048xf32>
    %squeeze3A_6 = vector.shape_cast %slice3A_5 : vector<8x1x2048xf32> to vector<8x2048xf32>
    %iota3A = tpu.iota {dimensions = array<i32: 1>} : vector<8x2048xi32>
    %iota3A_7 = tpu.iota {dimensions = array<i32: 1>} : vector<8x256xi32>
    %iota3A_8 = tpu.iota {dimensions = array<i32: 0>} : vector<8x2048xi32>
    %iota3A_9 = tpu.iota {dimensions = array<i32: 0>} : vector<8x256xi32>
    %add3A = arith.addi %iota3A, %iota3A_8 : vector<8x2048xi32>
    %convert_element_type3A = arith.sitofp %add3A : vector<8x2048xi32> to vector<8x2048xf32>
    %max3A = arith.constant 1.000000e+10 : f32
    %max3A_10 = vector.broadcast %max3A : f32 to vector<8x2048xf32>
    %max3A_11 = arith.maximumf %convert_element_type3A, %max3A_10 : vector<8x2048xf32>
    %iota3A_12 = tpu.iota {dimensions = array<i32: 0>} : vector<8x1xi32>
    %min3A = arith.constant 0 : i32
    %min3A_13 = vector.broadcast %min3A : i32 to vector<8x1xi32>
    %min3A_14 = arith.minsi %iota3A_12, %min3A_13 : vector<8x1xi32>
    %add3A_15 = arith.addi %iota3A_7, %iota3A_9 : vector<8x256xi32>
    %scan3A = arith.constant 0 : i32
    %scan3A_16 = arith.constant 256 : i32
    %scan3A_17 = arith.addi %scan3A, %scan3A_16 : i32
    %scan3A_18 = arith.constant 1 : i32
    %scan3A_19:3 = scf.for %scan3A_23 = %scan3A to %scan3A_17 step %scan3A_18 iter_args(%scan3A_24 = %max3A_11, %scan3A_25 = %min3A_14, %scan3A_26 = %add3A_15) -> (vector<8x2048xf32>, vector<8x1xi32>, vector<8x256xi32>)  : i32 {
      %eq3A = vector.broadcast %scan3A_23 : i32 to vector<8x256xi32>
      %eq3A_27 = arith.cmpi eq, %iota3A_7, %eq3A : vector<8x256xi32>
      %convert_element_type3A_28 = arith.extui %eq3A_27 : vector<8x256xi1> to vector<8x256xi32>
      %sub3A = arith.constant 1 : i32
      %sub3A_29 = vector.broadcast %sub3A : i32 to vector<8x256xi32>
      %sub3A_30 = arith.subi %sub3A_29, %convert_element_type3A_28 : vector<8x256xi32>
      %mul3A = arith.muli %scan3A_26, %sub3A_30 : vector<8x256xi32>
      %mul3A_31 = vector.broadcast %scan3A_25 : vector<8x1xi32> to vector<8x256xi32>
      %mul3A_32 = arith.muli %mul3A_31, %convert_element_type3A_28 : vector<8x256xi32>
      %add3A_33 = arith.addi %mul3A, %mul3A_32 : vector<8x256xi32>
      %eq3A_34 = vector.broadcast %scan3A_25 : vector<8x1xi32> to vector<8x2048xi32>
      %eq3A_35 = arith.cmpi eq, %iota3A, %eq3A_34 : vector<8x2048xi32>
      %jit3A = arith.constant 0.000000e+00 : f32
      %broadcast_in_dim3A = vector.broadcast %jit3A : f32 to vector<8x2048xf32>
      %select_n3A = arith.select %eq3A_35, %squeeze3A, %broadcast_in_dim3A : vector<8x2048xi1>, vector<8x2048xf32>
      %reduce_sum3A = arith.constant dense<0.000000e+00> : vector<8xf32>
      %reduce_sum3A_36 = vector.multi_reduction <add>, %select_n3A, %reduce_sum3A [1] : vector<8x2048xf32> to vector<8xf32>
      %broadcast_in_dim3A_37 = vector.shape_cast %reduce_sum3A_36 : vector<8xf32> to vector<8x1xf32>
      %jit3A_38 = arith.constant 0.000000e+00 : f32
      %broadcast_in_dim3A_39 = vector.broadcast %jit3A_38 : f32 to vector<8x2048xf32>
      %select_n3A_40 = arith.select %eq3A_35, %squeeze3A_4, %broadcast_in_dim3A_39 : vector<8x2048xi1>, vector<8x2048xf32>
      %reduce_sum3A_41 = arith.constant dense<0.000000e+00> : vector<8xf32>
      %reduce_sum3A_42 = vector.multi_reduction <add>, %select_n3A_40, %reduce_sum3A_41 [1] : vector<8x2048xf32> to vector<8xf32>
      %broadcast_in_dim3A_43 = vector.shape_cast %reduce_sum3A_42 : vector<8xf32> to vector<8x1xf32>
      %jit3A_44 = arith.constant 0.000000e+00 : f32
      %broadcast_in_dim3A_45 = vector.broadcast %jit3A_44 : f32 to vector<8x2048xf32>
      %select_n3A_46 = arith.select %eq3A_35, %squeeze3A_6, %broadcast_in_dim3A_45 : vector<8x2048xi1>, vector<8x2048xf32>
      %reduce_sum3A_47 = arith.constant dense<0.000000e+00> : vector<8xf32>
      %reduce_sum3A_48 = vector.multi_reduction <add>, %select_n3A_46, %reduce_sum3A_47 [1] : vector<8x2048xf32> to vector<8xf32>
      %broadcast_in_dim3A_49 = vector.shape_cast %reduce_sum3A_48 : vector<8xf32> to vector<8x1xf32>
      %sub3A_50 = vector.broadcast %broadcast_in_dim3A_37 : vector<8x1xf32> to vector<8x2048xf32>
      %sub3A_51 = arith.subf %squeeze3A, %sub3A_50 : vector<8x2048xf32>
      %sub3A_52 = vector.broadcast %broadcast_in_dim3A_43 : vector<8x1xf32> to vector<8x2048xf32>
      %sub3A_53 = arith.subf %squeeze3A_4, %sub3A_52 : vector<8x2048xf32>
      %sub3A_54 = vector.broadcast %broadcast_in_dim3A_49 : vector<8x1xf32> to vector<8x2048xf32>
      %sub3A_55 = arith.subf %squeeze3A_6, %sub3A_54 : vector<8x2048xf32>
      %mul3A_56 = arith.mulf %sub3A_51, %sub3A_51 : vector<8x2048xf32>
      %mul3A_57 = arith.mulf %sub3A_53, %sub3A_53 : vector<8x2048xf32>
      %add3A_58 = arith.addf %mul3A_56, %mul3A_57 : vector<8x2048xf32>
      %mul3A_59 = arith.mulf %sub3A_55, %sub3A_55 : vector<8x2048xf32>
      %add3A_60 = arith.addf %add3A_58, %mul3A_59 : vector<8x2048xf32>
      %min3A_61 = arith.minimumf %scan3A_24, %add3A_60 : vector<8x2048xf32>
      %reduce_max3A = arith.constant dense<0xFF800000> : vector<8xf32>
      %reduce_max3A_62 = vector.multi_reduction <maximumf>, %min3A_61, %reduce_max3A [1] : vector<8x2048xf32> to vector<8xf32>
      %broadcast_in_dim3A_63 = vector.shape_cast %reduce_max3A_62 : vector<8xf32> to vector<8x1xf32>
      %eq3A_64 = vector.broadcast %broadcast_in_dim3A_63 : vector<8x1xf32> to vector<8x2048xf32>
      %eq3A_65 = arith.cmpf oeq, %min3A_61, %eq3A_64 : vector<8x2048xf32>
      %jit3A_66 = arith.constant 2048 : i32
      %broadcast_in_dim3A_67 = vector.broadcast %jit3A_66 : i32 to vector<8x2048xi32>
      %select_n3A_68 = arith.select %eq3A_65, %iota3A, %broadcast_in_dim3A_67 : vector<8x2048xi1>, vector<8x2048xi32>
      %reduce_min3A = arith.constant dense<2147483647> : vector<8xi32>
      %reduce_min3A_69 = vector.multi_reduction <minsi>, %select_n3A_68, %reduce_min3A [1] : vector<8x2048xi32> to vector<8xi32>
      %broadcast_in_dim3A_70 = vector.shape_cast %reduce_min3A_69 : vector<8xi32> to vector<8x1xi32>
      scf.yield %min3A_61, %broadcast_in_dim3A_70, %add3A_33 : vector<8x2048xf32>, vector<8x1xi32>, vector<8x256xi32>
    }
    %scan3A_20 = arith.constant 256 : i32
    %swap3A = arith.constant 0 : index
    %swap3A_21 = arith.constant 0 : index
    %swap3A_22 = vector.load %arg1[%swap3A, %swap3A_21] : memref<8x256xi32, #tpu.memory_space<vmem>>, vector<8x256xi32>
    tpu.vector_store %arg1[%swap3A, %swap3A_21], %scan3A_19#2 {strides = array<i32>} : memref<8x256xi32, #tpu.memory_space<vmem>>, vector<8x256xi32>,
    return
  }
}

module attributes {stable_mosaic.version = 14 : i64} {
  func.func @_mm_kernel(%arg0: i32, %arg1: i32, %arg2: memref<256x256xf32, #tpu.memory_space<vmem>>, %arg3: memref<256x1xf32, #tpu.memory_space<vmem>>, %arg4: memref<1x256x2048xf32, #tpu.memory_space<vmem>>, %arg5: memref<1x256x2048xf32, #tpu.memory_space<vmem>>) attributes {dimension_semantics = [#tpu.dimension_semantics<arbitrary>, #tpu.dimension_semantics<arbitrary>], iteration_bounds = array<i64: 8, 1>, scalar_prefetch = 0 : i64, scratch_operands = 0 : i64, tpu.core_type = #tpu.core_type<tc>, window_params = [{pipeline_mode = #tpu.pipeline_mode<synchronous>, transform_indices = @transform_0, window_bounds = array<i64: 256, 256>}, {pipeline_mode = #tpu.pipeline_mode<synchronous>, transform_indices = @transform_1, window_bounds = array<i64: 256, 1>}, {transform_indices = @transform_2, window_bounds = array<i64: 1, 256, 2048>}, {transform_indices = @transform_3, window_bounds = array<i64: 1, 256, 2048>}]} {
    %get3A = arith.constant 0 : index
    %get3A_0 = arith.constant 0 : index
    %get3A_1 = vector.load %arg2[%get3A, %get3A_0] : memref<256x256xf32, #tpu.memory_space<vmem>>, vector<256x256xf32>
    %get3A_2 = arith.constant 0 : index
    %get3A_3 = arith.constant 0 : index
    %get3A_4 = arith.constant 0 : index
    %get3A_5 = vector.load %arg4[%get3A_2, %get3A_3, %get3A_4] : memref<1x256x2048xf32, #tpu.memory_space<vmem>>, vector<1x256x2048xf32>
    %get3A_6 = vector.shape_cast %get3A_5 : vector<1x256x2048xf32> to vector<256x2048xf32>
    %dot_general3A = arith.constant dense<0.000000e+00> : vector<256x2048xf32>
    %dot_general3A_7 = tpu.matmul %get3A_1, %get3A_6, %dot_general3A {dimension_numbers = #tpu.dot_dimension_numbers<[1], [0], [0], [1], [0, 0, 1, 1], [], []>, transpose_lhs_hint = false} : vector<256x256xf32>, vector<256x2048xf32>, vector<256x2048xf32> -> vector<256x2048xf32>
    %get3A_8 = arith.constant 0 : index
    %get3A_9 = arith.constant 0 : index
    %get3A_10 = vector.load %arg3[%get3A_8, %get3A_9] : memref<256x1xf32, #tpu.memory_space<vmem>>, vector<256x1xf32>
    %add3A = vector.broadcast %get3A_10 : vector<256x1xf32> to vector<256x2048xf32>
    %add3A_11 = arith.addf %dot_general3A_7, %add3A : vector<256x2048xf32>
    %swap3A = arith.constant 0 : index
    %swap3A_12 = arith.constant 0 : index
    %swap3A_13 = arith.constant 0 : index
    %swap3A_14 = vector.load %arg5[%swap3A, %swap3A_12, %swap3A_13] : memref<1x256x2048xf32, #tpu.memory_space<vmem>>, vector<1x256x2048xf32>
    %swap3A_15 = vector.shape_cast %swap3A_14 : vector<1x256x2048xf32> to vector<256x2048xf32>
    %swap3A_16 = vector.shape_cast %add3A_11 : vector<256x2048xf32> to vector<1x256x2048xf32>
    tpu.vector_store %arg5[%swap3A, %swap3A_12, %swap3A_13], %swap3A_16 {strides = array<i32>} : memref<1x256x2048xf32, #tpu.memory_space<vmem>>, vector<1x256x2048xf32>,
    return
  }
  func.func @transform_0(%arg0: i32, %arg1: i32) -> (i32, i32) {
    %c0_i32 = arith.constant 0 : i32
    %c0_i32_0 = arith.constant 0 : i32
    %c0_i32_1 = arith.constant 0 : i32
    return %c0_i32, %c0_i32_0 : i32, i32
  }
  func.func @transform_1(%arg0: i32, %arg1: i32) -> (i32, i32) {
    %c0_i32 = arith.constant 0 : i32
    %c0_i32_0 = arith.constant 0 : i32
    %c0_i32_1 = arith.constant 0 : i32
    return %c0_i32, %c0_i32_0 : i32, i32
  }
  func.func @transform_2(%arg0: i32, %arg1: i32) -> (i32, i32, i32) {
    %c0_i32 = arith.constant 0 : i32
    %c0_i32_0 = arith.constant 0 : i32
    return %arg0, %c0_i32, %arg1 : i32, i32, i32
  }
  func.func @transform_3(%arg0: i32, %arg1: i32) -> (i32, i32, i32) {
    %c0_i32 = arith.constant 0 : i32
    %c0_i32_0 = arith.constant 0 : i32
    return %arg0, %c0_i32, %arg1 : i32, i32, i32
  }
}

module attributes {stable_mosaic.version = 14 : i64} {
  func.func @_bn_kernel(%arg0: i32, %arg1: i32, %arg2: memref<256x1xf32, #tpu.memory_space<vmem>>, %arg3: memref<256x1xf32, #tpu.memory_space<vmem>>, %arg4: memref<256x1xf32, #tpu.memory_space<vmem>>, %arg5: memref<256x1xf32, #tpu.memory_space<vmem>>, %arg6: memref<1x256x2048xf32, #tpu.memory_space<vmem>>, %arg7: memref<1x256x2048xf32, #tpu.memory_space<vmem>>) attributes {dimension_semantics = [#tpu.dimension_semantics<arbitrary>, #tpu.dimension_semantics<arbitrary>], iteration_bounds = array<i64: 8, 1>, scalar_prefetch = 0 : i64, scratch_operands = 0 : i64, tpu.core_type = #tpu.core_type<tc>, window_params = [{pipeline_mode = #tpu.pipeline_mode<synchronous>, transform_indices = @transform_0, window_bounds = array<i64: 256, 1>}, {pipeline_mode = #tpu.pipeline_mode<synchronous>, transform_indices = @transform_1, window_bounds = array<i64: 256, 1>}, {pipeline_mode = #tpu.pipeline_mode<synchronous>, transform_indices = @transform_2, window_bounds = array<i64: 256, 1>}, {pipeline_mode = #tpu.pipeline_mode<synchronous>, transform_indices = @transform_3, window_bounds = array<i64: 256, 1>}, {transform_indices = @transform_4, window_bounds = array<i64: 1, 256, 2048>}, {transform_indices = @transform_5, window_bounds = array<i64: 1, 256, 2048>}]} {
    %get3A = arith.constant 0 : index
    %get3A_0 = arith.constant 0 : index
    %get3A_1 = arith.constant 0 : index
    %get3A_2 = vector.load %arg6[%get3A, %get3A_0, %get3A_1] : memref<1x256x2048xf32, #tpu.memory_space<vmem>>, vector<1x256x2048xf32>
    %get3A_3 = vector.shape_cast %get3A_2 : vector<1x256x2048xf32> to vector<256x2048xf32>
    %get3A_4 = arith.constant 0 : index
    %get3A_5 = arith.constant 0 : index
    %get3A_6 = vector.load %arg4[%get3A_4, %get3A_5] : memref<256x1xf32, #tpu.memory_space<vmem>>, vector<256x1xf32>
    %sub3A = vector.broadcast %get3A_6 : vector<256x1xf32> to vector<256x2048xf32>
    %sub3A_7 = arith.subf %get3A_3, %sub3A : vector<256x2048xf32>
    %get3A_8 = arith.constant 0 : index
    %get3A_9 = arith.constant 0 : index
    %get3A_10 = vector.load %arg5[%get3A_8, %get3A_9] : memref<256x1xf32, #tpu.memory_space<vmem>>, vector<256x1xf32>
    %add3A = arith.constant 9.99999974E-6 : f32
    %add3A_11 = vector.broadcast %add3A : f32 to vector<256x1xf32>
    %add3A_12 = arith.addf %get3A_10, %add3A_11 : vector<256x1xf32>
    %sqrt3A = math.sqrt %add3A_12 : vector<256x1xf32>
    %div3A = vector.broadcast %sqrt3A : vector<256x1xf32> to vector<256x2048xf32>
    %div3A_13 = arith.divf %sub3A_7, %div3A : vector<256x2048xf32>
    %get3A_14 = arith.constant 0 : index
    %get3A_15 = arith.constant 0 : index
    %get3A_16 = vector.load %arg2[%get3A_14, %get3A_15] : memref<256x1xf32, #tpu.memory_space<vmem>>, vector<256x1xf32>
    %mul3A = vector.broadcast %get3A_16 : vector<256x1xf32> to vector<256x2048xf32>
    %mul3A_17 = arith.mulf %div3A_13, %mul3A : vector<256x2048xf32>
    %get3A_18 = arith.constant 0 : index
    %get3A_19 = arith.constant 0 : index
    %get3A_20 = vector.load %arg3[%get3A_18, %get3A_19] : memref<256x1xf32, #tpu.memory_space<vmem>>, vector<256x1xf32>
    %add3A_21 = vector.broadcast %get3A_20 : vector<256x1xf32> to vector<256x2048xf32>
    %add3A_22 = arith.addf %mul3A_17, %add3A_21 : vector<256x2048xf32>
    %max3A = arith.constant 0.000000e+00 : f32
    %max3A_23 = vector.broadcast %max3A : f32 to vector<256x2048xf32>
    %max3A_24 = arith.maximumf %add3A_22, %max3A_23 : vector<256x2048xf32>
    %swap3A = arith.constant 0 : index
    %swap3A_25 = arith.constant 0 : index
    %swap3A_26 = arith.constant 0 : index
    %swap3A_27 = vector.load %arg7[%swap3A, %swap3A_25, %swap3A_26] : memref<1x256x2048xf32, #tpu.memory_space<vmem>>, vector<1x256x2048xf32>
    %swap3A_28 = vector.shape_cast %swap3A_27 : vector<1x256x2048xf32> to vector<256x2048xf32>
    %swap3A_29 = vector.shape_cast %max3A_24 : vector<256x2048xf32> to vector<1x256x2048xf32>
    tpu.vector_store %arg7[%swap3A, %swap3A_25, %swap3A_26], %swap3A_29 {strides = array<i32>} : memref<1x256x2048xf32, #tpu.memory_space<vmem>>, vector<1x256x2048xf32>,
    return
  }
  func.func @transform_0(%arg0: i32, %arg1: i32) -> (i32, i32) {
    %c0_i32 = arith.constant 0 : i32
    %c0_i32_0 = arith.constant 0 : i32
    %c0_i32_1 = arith.constant 0 : i32
    return %c0_i32, %c0_i32_0 : i32, i32
  }
  func.func @transform_1(%arg0: i32, %arg1: i32) -> (i32, i32) {
    %c0_i32 = arith.constant 0 : i32
    %c0_i32_0 = arith.constant 0 : i32
    %c0_i32_1 = arith.constant 0 : i32
    return %c0_i32, %c0_i32_0 : i32, i32
  }
  func.func @transform_2(%arg0: i32, %arg1: i32) -> (i32, i32) {
    %c0_i32 = arith.constant 0 : i32
    %c0_i32_0 = arith.constant 0 : i32
    %c0_i32_1 = arith.constant 0 : i32
    return %c0_i32, %c0_i32_0 : i32, i32
  }
  func.func @transform_3(%arg0: i32, %arg1: i32) -> (i32, i32) {
    %c0_i32 = arith.constant 0 : i32
    %c0_i32_0 = arith.constant 0 : i32
    %c0_i32_1 = arith.constant 0 : i32
    return %c0_i32, %c0_i32_0 : i32, i32
  }
  func.func @transform_4(%arg0: i32, %arg1: i32) -> (i32, i32, i32) {
    %c0_i32 = arith.constant 0 : i32
    %c0_i32_0 = arith.constant 0 : i32
    return %arg0, %c0_i32, %arg1 : i32, i32, i32
  }
  func.func @transform_5(%arg0: i32, %arg1: i32) -> (i32, i32, i32) {
    %c0_i32 = arith.constant 0 : i32
    %c0_i32_0 = arith.constant 0 : i32
    return %arg0, %c0_i32, %arg1 : i32, i32, i32
  }
}

module attributes {stable_mosaic.version = 14 : i64} {
  func.func @_stage1c_kernel(%arg0: i32, %arg1: i32, %arg2: memref<8x256xf32, #tpu.memory_space<vmem>>, %arg3: memref<8x1xf32, #tpu.memory_space<vmem>>, %arg4: memref<256x256xf32, #tpu.memory_space<vmem>>, %arg5: memref<256x1xf32, #tpu.memory_space<vmem>>, %arg6: memref<256x8xf32, #tpu.memory_space<vmem>>, %arg7: memref<256x256xf32, #tpu.memory_space<vmem>>, %arg8: memref<1x8x2048xf32, #tpu.memory_space<vmem>>, %arg9: memref<1x256x2048xf32, #tpu.memory_space<vmem>>, %arg10: memref<1x256x2048xf32, #tpu.memory_space<vmem>>, %arg11: memref<1x8x2048xf32, #tpu.memory_space<vmem>>, %arg12: memref<1x256x2048xf32, #tpu.memory_space<vmem>>) attributes {dimension_semantics = [#tpu.dimension_semantics<arbitrary>, #tpu.dimension_semantics<arbitrary>], iteration_bounds = array<i64: 8, 1>, scalar_prefetch = 0 : i64, scratch_operands = 0 : i64, tpu.core_type = #tpu.core_type<tc>, window_params = [{pipeline_mode = #tpu.pipeline_mode<synchronous>, transform_indices = @transform_0, window_bounds = array<i64: 8, 256>}, {pipeline_mode = #tpu.pipeline_mode<synchronous>, transform_indices = @transform_1, window_bounds = array<i64: 8, 1>}, {pipeline_mode = #tpu.pipeline_mode<synchronous>, transform_indices = @transform_2, window_bounds = array<i64: 256, 256>}, {pipeline_mode = #tpu.pipeline_mode<synchronous>, transform_indices = @transform_3, window_bounds = array<i64: 256, 1>}, {pipeline_mode = #tpu.pipeline_mode<synchronous>, transform_indices = @transform_4, window_bounds = array<i64: 256, 8>}, {pipeline_mode = #tpu.pipeline_mode<synchronous>, transform_indices = @transform_5, window_bounds = array<i64: 256, 256>}, {transform_indices = @transform_6, window_bounds = array<i64: 1, 8, 2048>}, {transform_indices = @transform_7, window_bounds = array<i64: 1, 256, 2048>}, {transform_indices = @transform_8, window_bounds = array<i64: 1, 256, 2048>}, {transform_indices = @transform_9, window_bounds = array<i64: 1, 8, 2048>}, {transform_indices = @transform_10, window_bounds = array<i64: 1, 256, 2048>}]} {
    %get3A = arith.constant 0 : index
    %get3A_0 = arith.constant 0 : index
    %get3A_1 = arith.constant 0 : index
    %get3A_2 = vector.load %arg10[%get3A, %get3A_0, %get3A_1] : memref<1x256x2048xf32, #tpu.memory_space<vmem>>, vector<1x256x2048xf32>
    %get3A_3 = vector.shape_cast %get3A_2 : vector<1x256x2048xf32> to vector<256x2048xf32>
    %get3A_4 = arith.constant 0 : index
    %get3A_5 = arith.constant 0 : index
    %get3A_6 = vector.load %arg2[%get3A_4, %get3A_5] : memref<8x256xf32, #tpu.memory_space<vmem>>, vector<8x256xf32>
    %dot_general3A = arith.constant dense<0.000000e+00> : vector<8x2048xf32>
    %dot_general3A_7 = tpu.matmul %get3A_6, %get3A_3, %dot_general3A {dimension_numbers = #tpu.dot_dimension_numbers<[1], [0], [0], [1], [0, 0, 1, 1], [], []>, transpose_lhs_hint = false} : vector<8x256xf32>, vector<256x2048xf32>, vector<8x2048xf32> -> vector<8x2048xf32>
    %get3A_8 = arith.constant 0 : index
    %get3A_9 = arith.constant 0 : index
    %get3A_10 = arith.constant 0 : index
    %get3A_11 = vector.load %arg8[%get3A_8, %get3A_9, %get3A_10] : memref<1x8x2048xf32, #tpu.memory_space<vmem>>, vector<1x8x2048xf32>
    %get3A_12 = vector.shape_cast %get3A_11 : vector<1x8x2048xf32> to vector<8x2048xf32>
    %add3A = arith.addf %get3A_12, %dot_general3A_7 : vector<8x2048xf32>
    %get3A_13 = arith.constant 0 : index
    %get3A_14 = arith.constant 0 : index
    %get3A_15 = vector.load %arg3[%get3A_13, %get3A_14] : memref<8x1xf32, #tpu.memory_space<vmem>>, vector<8x1xf32>
    %add3A_16 = vector.broadcast %get3A_15 : vector<8x1xf32> to vector<8x2048xf32>
    %add3A_17 = arith.addf %add3A, %add3A_16 : vector<8x2048xf32>
    %swap3A = arith.constant 0 : index
    %swap3A_18 = arith.constant 0 : index
    %swap3A_19 = arith.constant 0 : index
    %swap3A_20 = vector.load %arg11[%swap3A, %swap3A_18, %swap3A_19] : memref<1x8x2048xf32, #tpu.memory_space<vmem>>, vector<1x8x2048xf32>
    %swap3A_21 = vector.shape_cast %swap3A_20 : vector<1x8x2048xf32> to vector<8x2048xf32>
    %swap3A_22 = vector.shape_cast %add3A_17 : vector<8x2048xf32> to vector<1x8x2048xf32>
    tpu.vector_store %arg11[%swap3A, %swap3A_18, %swap3A_19], %swap3A_22 {strides = array<i32>} : memref<1x8x2048xf32, #tpu.memory_space<vmem>>, vector<1x8x2048xf32>,
    %get3A_23 = arith.constant 0 : index
    %get3A_24 = arith.constant 0 : index
    %get3A_25 = vector.load %arg4[%get3A_23, %get3A_24] : memref<256x256xf32, #tpu.memory_space<vmem>>, vector<256x256xf32>
    %dot_general3A_26 = arith.constant dense<0.000000e+00> : vector<256x2048xf32>
    %dot_general3A_27 = tpu.matmul %get3A_25, %get3A_3, %dot_general3A_26 {dimension_numbers = #tpu.dot_dimension_numbers<[1], [0], [0], [1], [0, 0, 1, 1], [], []>, transpose_lhs_hint = false} : vector<256x256xf32>, vector<256x2048xf32>, vector<256x2048xf32> -> vector<256x2048xf32>
    %get3A_28 = arith.constant 0 : index
    %get3A_29 = arith.constant 0 : index
    %get3A_30 = arith.constant 0 : index
    %get3A_31 = vector.load %arg9[%get3A_28, %get3A_29, %get3A_30] : memref<1x256x2048xf32, #tpu.memory_space<vmem>>, vector<1x256x2048xf32>
    %get3A_32 = vector.shape_cast %get3A_31 : vector<1x256x2048xf32> to vector<256x2048xf32>
    %add3A_33 = arith.addf %get3A_32, %dot_general3A_27 : vector<256x2048xf32>
    %get3A_34 = arith.constant 0 : index
    %get3A_35 = arith.constant 0 : index
    %get3A_36 = vector.load %arg5[%get3A_34, %get3A_35] : memref<256x1xf32, #tpu.memory_space<vmem>>, vector<256x1xf32>
    %add3A_37 = vector.broadcast %get3A_36 : vector<256x1xf32> to vector<256x2048xf32>
    %add3A_38 = arith.addf %add3A_33, %add3A_37 : vector<256x2048xf32>
    %mul3A = arith.mulf %add3A_38, %add3A_38 : vector<256x2048xf32>
    %reduce_sum3A = arith.constant dense<0.000000e+00> : vector<2048xf32>
    %reduce_sum3A_39 = vector.multi_reduction <add>, %mul3A, %reduce_sum3A [0] : vector<256x2048xf32> to vector<2048xf32>
    %broadcast_in_dim3A = vector.shape_cast %reduce_sum3A_39 : vector<2048xf32> to vector<1x2048xf32>
    %sqrt3A = math.sqrt %broadcast_in_dim3A : vector<1x2048xf32>
    %div3A = vector.broadcast %sqrt3A : vector<1x2048xf32> to vector<256x2048xf32>
    %div3A_40 = arith.divf %add3A_38, %div3A : vector<256x2048xf32>
    %get3A_41 = arith.constant 0 : index
    %get3A_42 = arith.constant 0 : index
    %get3A_43 = vector.load %arg6[%get3A_41, %get3A_42] : memref<256x8xf32, #tpu.memory_space<vmem>>, vector<256x8xf32>
    %mul3A_44 = arith.constant 3.33333325 : f32
    %mul3A_45 = vector.broadcast %mul3A_44 : f32 to vector<8x2048xf32>
    %mul3A_46 = arith.mulf %add3A_17, %mul3A_45 : vector<8x2048xf32>
    %dot_general3A_47 = arith.constant dense<0.000000e+00> : vector<256x2048xf32>
    %dot_general3A_48 = tpu.matmul %get3A_43, %mul3A_46, %dot_general3A_47 {dimension_numbers = #tpu.dot_dimension_numbers<[1], [0], [0], [1], [0, 0, 1, 1], [], []>, transpose_lhs_hint = false} : vector<256x8xf32>, vector<8x2048xf32>, vector<256x2048xf32> -> vector<256x2048xf32>
    %get3A_49 = arith.constant 0 : index
    %get3A_50 = arith.constant 0 : index
    %get3A_51 = vector.load %arg7[%get3A_49, %get3A_50] : memref<256x256xf32, #tpu.memory_space<vmem>>, vector<256x256xf32>
    %dot_general3A_52 = arith.constant dense<0.000000e+00> : vector<256x2048xf32>
    %dot_general3A_53 = tpu.matmul %get3A_51, %div3A_40, %dot_general3A_52 {dimension_numbers = #tpu.dot_dimension_numbers<[1], [0], [0], [1], [0, 0, 1, 1], [], []>, transpose_lhs_hint = false} : vector<256x256xf32>, vector<256x2048xf32>, vector<256x2048xf32> -> vector<256x2048xf32>
    %add3A_54 = arith.addf %dot_general3A_48, %dot_general3A_53 : vector<256x2048xf32>
    %swap3A_55 = arith.constant 0 : index
    %swap3A_56 = arith.constant 0 : index
    %swap3A_57 = arith.constant 0 : index
    %swap3A_58 = vector.load %arg12[%swap3A_55, %swap3A_56, %swap3A_57] : memref<1x256x2048xf32, #tpu.memory_space<vmem>>, vector<1x256x2048xf32>
    %swap3A_59 = vector.shape_cast %swap3A_58 : vector<1x256x2048xf32> to vector<256x2048xf32>
    %swap3A_60 = vector.shape_cast %add3A_54 : vector<256x2048xf32> to vector<1x256x2048xf32>
    tpu.vector_store %arg12[%swap3A_55, %swap3A_56, %swap3A_57], %swap3A_60 {strides = array<i32>} : memref<1x256x2048xf32, #tpu.memory_space<vmem>>, vector<1x256x2048xf32>,
    return
  }
  func.func @transform_0(%arg0: i32, %arg1: i32) -> (i32, i32) {
    %c0_i32 = arith.constant 0 : i32
    %c0_i32_0 = arith.constant 0 : i32
    %c0_i32_1 = arith.constant 0 : i32
    return %c0_i32, %c0_i32_0 : i32, i32
  }
  func.func @transform_1(%arg0: i32, %arg1: i32) -> (i32, i32) {
    %c0_i32 = arith.constant 0 : i32
    %c0_i32_0 = arith.constant 0 : i32
    %c0_i32_1 = arith.constant 0 : i32
    return %c0_i32, %c0_i32_0 : i32, i32
  }
  func.func @transform_2(%arg0: i32, %arg1: i32) -> (i32, i32) {
    %c0_i32 = arith.constant 0 : i32
    %c0_i32_0 = arith.constant 0 : i32
    %c0_i32_1 = arith.constant 0 : i32
    return %c0_i32, %c0_i32_0 : i32, i32
  }
  func.func @transform_3(%arg0: i32, %arg1: i32) -> (i32, i32) {
    %c0_i32 = arith.constant 0 : i32
    %c0_i32_0 = arith.constant 0 : i32
    %c0_i32_1 = arith.constant 0 : i32
    return %c0_i32, %c0_i32_0 : i32, i32
  }
  func.func @transform_4(%arg0: i32, %arg1: i32) -> (i32, i32) {
    %c0_i32 = arith.constant 0 : i32
    %c0_i32_0 = arith.constant 0 : i32
    %c0_i32_1 = arith.constant 0 : i32
    return %c0_i32, %c0_i32_0 : i32, i32
  }
  func.func @transform_5(%arg0: i32, %arg1: i32) -> (i32, i32) {
    %c0_i32 = arith.constant 0 : i32
    %c0_i32_0 = arith.constant 0 : i32
    %c0_i32_1 = arith.constant 0 : i32
    return %c0_i32, %c0_i32_0 : i32, i32
  }
  func.func @transform_6(%arg0: i32, %arg1: i32) -> (i32, i32, i32) {
    %c0_i32 = arith.constant 0 : i32
    %c0_i32_0 = arith.constant 0 : i32
    return %arg0, %c0_i32, %arg1 : i32, i32, i32
  }
  func.func @transform_7(%arg0: i32, %arg1: i32) -> (i32, i32, i32) {
    %c0_i32 = arith.constant 0 : i32
    %c0_i32_0 = arith.constant 0 : i32
    return %arg0, %c0_i32, %arg1 : i32, i32, i32
  }
  func.func @transform_8(%arg0: i32, %arg1: i32) -> (i32, i32, i32) {
    %c0_i32 = arith.constant 0 : i32
    %c0_i32_0 = arith.constant 0 : i32
    return %arg0, %c0_i32, %arg1 : i32, i32, i32
  }
  func.func @transform_9(%arg0: i32, %arg1: i32) -> (i32, i32, i32) {
    %c0_i32 = arith.constant 0 : i32
    %c0_i32_0 = arith.constant 0 : i32
    return %arg0, %c0_i32, %arg1 : i32, i32, i32
  }
  func.func @transform_10(%arg0: i32, %arg1: i32) -> (i32, i32, i32) {
    %c0_i32 = arith.constant 0 : i32
    %c0_i32_0 = arith.constant 0 : i32
    return %arg0, %c0_i32, %arg1 : i32, i32, i32
  }
}

module attributes {stable_mosaic.version = 14 : i64} {
  func.func @_ballquery_kernel(%arg0: i32, %arg1: memref<256x8xf32, #tpu.memory_space<vmem>>, %arg2: memref<1x8x2048xf32, #tpu.memory_space<vmem>>, %arg3: memref<1x1x256xi32, #tpu.memory_space<vmem>>, %arg4: memref<1x256x8xf32, #tpu.memory_space<vmem>>, %arg5: memref<1x256x256xf32, #tpu.memory_space<vmem>>, %arg6: memref<1x256x16xi32, #tpu.memory_space<vmem>>) attributes {dimension_semantics = [#tpu.dimension_semantics<arbitrary>], iteration_bounds = array<i64: 8>, scalar_prefetch = 0 : i64, scratch_operands = 0 : i64, tpu.core_type = #tpu.core_type<tc>, window_params = [{pipeline_mode = #tpu.pipeline_mode<synchronous>, transform_indices = @transform_0, window_bounds = array<i64: 256, 8>}, {transform_indices = @transform_1, window_bounds = array<i64: 1, 8, 2048>}, {transform_indices = @transform_2, window_bounds = array<i64: 1, 1, 256>}, {transform_indices = @transform_3, window_bounds = array<i64: 1, 256, 8>}, {transform_indices = @transform_4, window_bounds = array<i64: 1, 256, 256>}, {transform_indices = @transform_5, window_bounds = array<i64: 1, 256, 16>}]} {
    %get3A = arith.constant 0 : index
    %get3A_0 = arith.constant 0 : index
    %get3A_1 = arith.constant 0 : index
    %get3A_2 = vector.load %arg2[%get3A, %get3A_0, %get3A_1] : memref<1x8x2048xf32, #tpu.memory_space<vmem>>, vector<1x8x2048xf32>
    %get3A_3 = vector.shape_cast %get3A_2 : vector<1x8x2048xf32> to vector<8x2048xf32>
    %get3A_4 = arith.constant 0 : index
    %get3A_5 = arith.constant 0 : index
    %get3A_6 = arith.constant 0 : index
    %get3A_7 = vector.load %arg3[%get3A_4, %get3A_5, %get3A_6] : memref<1x1x256xi32, #tpu.memory_space<vmem>>, vector<1x1x256xi32>
    %get3A_8 = vector.shape_cast %get3A_7 : vector<1x1x256xi32> to vector<1x256xi32>
    %iota3A = tpu.iota {dimensions = array<i32: 0>} : vector<2048x256xi32>
    %eq3A = vector.broadcast %get3A_8 : vector<1x256xi32> to vector<2048x256xi32>
    %eq3A_9 = arith.cmpi eq, %iota3A, %eq3A : vector<2048x256xi32>
    %jit3A = arith.constant 1.000000e+00 : f32
    %jit3A_10 = arith.constant 0.000000e+00 : f32
    %broadcast_in_dim3A = vector.broadcast %jit3A : f32 to vector<2048x256xf32>
    %broadcast_in_dim3A_11 = vector.broadcast %jit3A_10 : f32 to vector<2048x256xf32>
    %select_n3A = arith.select %eq3A_9, %broadcast_in_dim3A, %broadcast_in_dim3A_11 : vector<2048x256xi1>, vector<2048x256xf32>
    %dot_general3A = arith.constant dense<0.000000e+00> : vector<256x8xf32>
    %dot_general3A_12 = tpu.matmul %select_n3A, %get3A_3, %dot_general3A {dimension_numbers = #tpu.dot_dimension_numbers<[0], [1], [1], [0], [0, 1, 1, 0], [], []>, precision = #tpu.contract_precision<fp32>, transpose_lhs_hint = false} : vector<2048x256xf32>, vector<8x2048xf32>, vector<256x8xf32> -> vector<256x8xf32>
    %swap3A = arith.constant 0 : index
    %swap3A_13 = arith.constant 0 : index
    %swap3A_14 = arith.constant 0 : index
    %swap3A_15 = vector.load %arg4[%swap3A, %swap3A_13, %swap3A_14] : memref<1x256x8xf32, #tpu.memory_space<vmem>>, vector<1x256x8xf32>
    %swap3A_16 = vector.shape_cast %swap3A_15 : vector<1x256x8xf32> to vector<256x8xf32>
    %swap3A_17 = vector.shape_cast %dot_general3A_12 : vector<256x8xf32> to vector<1x256x8xf32>
    tpu.vector_store %arg4[%swap3A, %swap3A_13, %swap3A_14], %swap3A_17 {strides = array<i32>} : memref<1x256x8xf32, #tpu.memory_space<vmem>>, vector<1x256x8xf32>,
    %mul3A = arith.constant 3.33333325 : f32
    %mul3A_18 = vector.broadcast %mul3A : f32 to vector<256x8xf32>
    %mul3A_19 = arith.mulf %dot_general3A_12, %mul3A_18 : vector<256x8xf32>
    %get3A_20 = arith.constant 0 : index
    %get3A_21 = arith.constant 0 : index
    %get3A_22 = vector.load %arg1[%get3A_20, %get3A_21] : memref<256x8xf32, #tpu.memory_space<vmem>>, vector<256x8xf32>
    %dot_general3A_23 = arith.constant dense<0.000000e+00> : vector<256x256xf32>
    %dot_general3A_24 = tpu.matmul %mul3A_19, %get3A_22, %dot_general3A_23 {dimension_numbers = #tpu.dot_dimension_numbers<[1], [1], [0], [0], [0, 0, 1, 0], [], []>, transpose_lhs_hint = false} : vector<256x8xf32>, vector<256x8xf32>, vector<256x256xf32> -> vector<256x256xf32>
    %swap3A_25 = arith.constant 0 : index
    %swap3A_26 = arith.constant 0 : index
    %swap3A_27 = arith.constant 0 : index
    %swap3A_28 = vector.load %arg5[%swap3A_25, %swap3A_26, %swap3A_27] : memref<1x256x256xf32, #tpu.memory_space<vmem>>, vector<1x256x256xf32>
    %swap3A_29 = vector.shape_cast %swap3A_28 : vector<1x256x256xf32> to vector<256x256xf32>
    %swap3A_30 = vector.shape_cast %dot_general3A_24 : vector<256x256xf32> to vector<1x256x256xf32>
    tpu.vector_store %arg5[%swap3A_25, %swap3A_26, %swap3A_27], %swap3A_30 {strides = array<i32>} : memref<1x256x256xf32, #tpu.memory_space<vmem>>, vector<1x256x256xf32>,
    %slice3A = vector.extract_strided_slice %dot_general3A_12 {offsets = [0, 0], sizes = [256, 1], strides = [1, 1]} : vector<256x8xf32> to vector<256x1xf32>
    %slice3A_31 = vector.extract_strided_slice %get3A_3 {offsets = [0, 0], sizes = [1, 2048], strides = [1, 1]} : vector<8x2048xf32> to vector<1x2048xf32>
    %sub3A = vector.broadcast %slice3A : vector<256x1xf32> to vector<256x2048xf32>
    %sub3A_32 = vector.broadcast %slice3A_31 : vector<1x2048xf32> to vector<256x2048xf32>
    %sub3A_33 = arith.subf %sub3A, %sub3A_32 : vector<256x2048xf32>
    %slice3A_34 = vector.extract_strided_slice %dot_general3A_12 {offsets = [0, 1], sizes = [256, 1], strides = [1, 1]} : vector<256x8xf32> to vector<256x1xf32>
    %slice3A_35 = vector.extract_strided_slice %get3A_3 {offsets = [1, 0], sizes = [1, 2048], strides = [1, 1]} : vector<8x2048xf32> to vector<1x2048xf32>
    %sub3A_36 = vector.broadcast %slice3A_34 : vector<256x1xf32> to vector<256x2048xf32>
    %sub3A_37 = vector.broadcast %slice3A_35 : vector<1x2048xf32> to vector<256x2048xf32>
    %sub3A_38 = arith.subf %sub3A_36, %sub3A_37 : vector<256x2048xf32>
    %slice3A_39 = vector.extract_strided_slice %dot_general3A_12 {offsets = [0, 2], sizes = [256, 1], strides = [1, 1]} : vector<256x8xf32> to vector<256x1xf32>
    %slice3A_40 = vector.extract_strided_slice %get3A_3 {offsets = [2, 0], sizes = [1, 2048], strides = [1, 1]} : vector<8x2048xf32> to vector<1x2048xf32>
    %sub3A_41 = vector.broadcast %slice3A_39 : vector<256x1xf32> to vector<256x2048xf32>
    %sub3A_42 = vector.broadcast %slice3A_40 : vector<1x2048xf32> to vector<256x2048xf32>
    %sub3A_43 = arith.subf %sub3A_41, %sub3A_42 : vector<256x2048xf32>
    %mul3A_44 = arith.mulf %sub3A_33, %sub3A_33 : vector<256x2048xf32>
    %mul3A_45 = arith.mulf %sub3A_38, %sub3A_38 : vector<256x2048xf32>
    %add3A = arith.addf %mul3A_44, %mul3A_45 : vector<256x2048xf32>
    %mul3A_46 = arith.mulf %sub3A_43, %sub3A_43 : vector<256x2048xf32>
    %add3A_47 = arith.addf %add3A, %mul3A_46 : vector<256x2048xf32>
    %lt3A = arith.constant 9.000000e-02 : f32
    %lt3A_48 = vector.broadcast %lt3A : f32 to vector<256x2048xf32>
    %lt3A_49 = arith.cmpf olt, %add3A_47, %lt3A_48 : vector<256x2048xf32>
    %iota3A_50 = tpu.iota {dimensions = array<i32: 1>} : vector<256x2048xi32>
    %iota3A_51 = tpu.iota {dimensions = array<i32: 1>} : vector<256x16xi32>
    %broadcast_in_dim3A_52 = arith.constant 0 : i32
    %broadcast_in_dim3A_53 = vector.broadcast %broadcast_in_dim3A_52 : i32 to vector<256x16xi32>
    %jit3A_54 = arith.constant 2048 : i32
    %broadcast_in_dim3A_55 = vector.broadcast %jit3A_54 : i32 to vector<256x2048xi32>
    %select_n3A_56 = arith.select %lt3A_49, %iota3A_50, %broadcast_in_dim3A_55 : vector<256x2048xi1>, vector<256x2048xi32>
    %reduce_min3A = arith.constant dense<2147483647> : vector<256xi32>
    %reduce_min3A_57 = vector.multi_reduction <minsi>, %select_n3A_56, %reduce_min3A [1] : vector<256x2048xi32> to vector<256xi32>
    %broadcast_in_dim3A_58 = vector.shape_cast %reduce_min3A_57 : vector<256xi32> to vector<256x1xi32>
    %eq3A_59 = arith.constant 0 : i32
    %eq3A_60 = vector.broadcast %eq3A_59 : i32 to vector<256x16xi32>
    %eq3A_61 = arith.cmpi eq, %iota3A_51, %eq3A_60 : vector<256x16xi32>
    %broadcast_in_dim3A_62 = vector.shape_cast %broadcast_in_dim3A_58 : vector<256x1xi32> to vector<256x1xi32>
    %broadcast_in_dim3A_63 = vector.broadcast %broadcast_in_dim3A_62 : vector<256x1xi32> to vector<256x16xi32>
    %select_n3A_64 = arith.select %eq3A_61, %broadcast_in_dim3A_63, %broadcast_in_dim3A_53 : vector<256x16xi1>, vector<256x16xi32>
    %ne3A = vector.broadcast %broadcast_in_dim3A_58 : vector<256x1xi32> to vector<256x2048xi32>
    %ne3A_65 = arith.cmpi ne, %iota3A_50, %ne3A : vector<256x2048xi32>
    %and3A = arith.andi %lt3A_49, %ne3A_65 : vector<256x2048xi1>
    %jit3A_66 = arith.constant 2048 : i32
    %broadcast_in_dim3A_67 = vector.broadcast %jit3A_66 : i32 to vector<256x2048xi32>
    %select_n3A_68 = arith.select %and3A, %iota3A_50, %broadcast_in_dim3A_67 : vector<256x2048xi1>, vector<256x2048xi32>
    %reduce_min3A_69 = arith.constant dense<2147483647> : vector<256xi32>
    %reduce_min3A_70 = vector.multi_reduction <minsi>, %select_n3A_68, %reduce_min3A_69 [1] : vector<256x2048xi32> to vector<256xi32>
    %broadcast_in_dim3A_71 = vector.shape_cast %reduce_min3A_70 : vector<256xi32> to vector<256x1xi32>
    %eq3A_72 = arith.constant 1 : i32
    %eq3A_73 = vector.broadcast %eq3A_72 : i32 to vector<256x16xi32>
    %eq3A_74 = arith.cmpi eq, %iota3A_51, %eq3A_73 : vector<256x16xi32>
    %broadcast_in_dim3A_75 = vector.shape_cast %broadcast_in_dim3A_71 : vector<256x1xi32> to vector<256x1xi32>
    %broadcast_in_dim3A_76 = vector.broadcast %broadcast_in_dim3A_75 : vector<256x1xi32> to vector<256x16xi32>
    %select_n3A_77 = arith.select %eq3A_74, %broadcast_in_dim3A_76, %select_n3A_64 : vector<256x16xi1>, vector<256x16xi32>
    %ne3A_78 = vector.broadcast %broadcast_in_dim3A_71 : vector<256x1xi32> to vector<256x2048xi32>
    %ne3A_79 = arith.cmpi ne, %iota3A_50, %ne3A_78 : vector<256x2048xi32>
    %and3A_80 = arith.andi %and3A, %ne3A_79 : vector<256x2048xi1>
    %jit3A_81 = arith.constant 2048 : i32
    %broadcast_in_dim3A_82 = vector.broadcast %jit3A_81 : i32 to vector<256x2048xi32>
    %select_n3A_83 = arith.select %and3A_80, %iota3A_50, %broadcast_in_dim3A_82 : vector<256x2048xi1>, vector<256x2048xi32>
    %reduce_min3A_84 = arith.constant dense<2147483647> : vector<256xi32>
    %reduce_min3A_85 = vector.multi_reduction <minsi>, %select_n3A_83, %reduce_min3A_84 [1] : vector<256x2048xi32> to vector<256xi32>
    %broadcast_in_dim3A_86 = vector.shape_cast %reduce_min3A_85 : vector<256xi32> to vector<256x1xi32>
    %eq3A_87 = arith.constant 2 : i32
    %eq3A_88 = vector.broadcast %eq3A_87 : i32 to vector<256x16xi32>
    %eq3A_89 = arith.cmpi eq, %iota3A_51, %eq3A_88 : vector<256x16xi32>
    %broadcast_in_dim3A_90 = vector.shape_cast %broadcast_in_dim3A_86 : vector<256x1xi32> to vector<256x1xi32>
    %broadcast_in_dim3A_91 = vector.broadcast %broadcast_in_dim3A_90 : vector<256x1xi32> to vector<256x16xi32>
    %select_n3A_92 = arith.select %eq3A_89, %broadcast_in_dim3A_91, %select_n3A_77 : vector<256x16xi1>, vector<256x16xi32>
    %ne3A_93 = vector.broadcast %broadcast_in_dim3A_86 : vector<256x1xi32> to vector<256x2048xi32>
    %ne3A_94 = arith.cmpi ne, %iota3A_50, %ne3A_93 : vector<256x2048xi32>
    %and3A_95 = arith.andi %and3A_80, %ne3A_94 : vector<256x2048xi1>
    %jit3A_96 = arith.constant 2048 : i32
    %broadcast_in_dim3A_97 = vector.broadcast %jit3A_96 : i32 to vector<256x2048xi32>
    %select_n3A_98 = arith.select %and3A_95, %iota3A_50, %broadcast_in_dim3A_97 : vector<256x2048xi1>, vector<256x2048xi32>
    %reduce_min3A_99 = arith.constant dense<2147483647> : vector<256xi32>
    %reduce_min3A_100 = vector.multi_reduction <minsi>, %select_n3A_98, %reduce_min3A_99 [1] : vector<256x2048xi32> to vector<256xi32>
    %broadcast_in_dim3A_101 = vector.shape_cast %reduce_min3A_100 : vector<256xi32> to vector<256x1xi32>
    %eq3A_102 = arith.constant 3 : i32
    %eq3A_103 = vector.broadcast %eq3A_102 : i32 to vector<256x16xi32>
    %eq3A_104 = arith.cmpi eq, %iota3A_51, %eq3A_103 : vector<256x16xi32>
    %broadcast_in_dim3A_105 = vector.shape_cast %broadcast_in_dim3A_101 : vector<256x1xi32> to vector<256x1xi32>
    %broadcast_in_dim3A_106 = vector.broadcast %broadcast_in_dim3A_105 : vector<256x1xi32> to vector<256x16xi32>
    %select_n3A_107 = arith.select %eq3A_104, %broadcast_in_dim3A_106, %select_n3A_92 : vector<256x16xi1>, vector<256x16xi32>
    %ne3A_108 = vector.broadcast %broadcast_in_dim3A_101 : vector<256x1xi32> to vector<256x2048xi32>
    %ne3A_109 = arith.cmpi ne, %iota3A_50, %ne3A_108 : vector<256x2048xi32>
    %and3A_110 = arith.andi %and3A_95, %ne3A_109 : vector<256x2048xi1>
    %jit3A_111 = arith.constant 2048 : i32
    %broadcast_in_dim3A_112 = vector.broadcast %jit3A_111 : i32 to vector<256x2048xi32>
    %select_n3A_113 = arith.select %and3A_110, %iota3A_50, %broadcast_in_dim3A_112 : vector<256x2048xi1>, vector<256x2048xi32>
    %reduce_min3A_114 = arith.constant dense<2147483647> : vector<256xi32>
    %reduce_min3A_115 = vector.multi_reduction <minsi>, %select_n3A_113, %reduce_min3A_114 [1] : vector<256x2048xi32> to vector<256xi32>
    %broadcast_in_dim3A_116 = vector.shape_cast %reduce_min3A_115 : vector<256xi32> to vector<256x1xi32>
    %eq3A_117 = arith.constant 4 : i32
    %eq3A_118 = vector.broadcast %eq3A_117 : i32 to vector<256x16xi32>
    %eq3A_119 = arith.cmpi eq, %iota3A_51, %eq3A_118 : vector<256x16xi32>
    %broadcast_in_dim3A_120 = vector.shape_cast %broadcast_in_dim3A_116 : vector<256x1xi32> to vector<256x1xi32>
    %broadcast_in_dim3A_121 = vector.broadcast %broadcast_in_dim3A_120 : vector<256x1xi32> to vector<256x16xi32>
    %select_n3A_122 = arith.select %eq3A_119, %broadcast_in_dim3A_121, %select_n3A_107 : vector<256x16xi1>, vector<256x16xi32>
    %ne3A_123 = vector.broadcast %broadcast_in_dim3A_116 : vector<256x1xi32> to vector<256x2048xi32>
    %ne3A_124 = arith.cmpi ne, %iota3A_50, %ne3A_123 : vector<256x2048xi32>
    %and3A_125 = arith.andi %and3A_110, %ne3A_124 : vector<256x2048xi1>
    %jit3A_126 = arith.constant 2048 : i32
    %broadcast_in_dim3A_127 = vector.broadcast %jit3A_126 : i32 to vector<256x2048xi32>
    %select_n3A_128 = arith.select %and3A_125, %iota3A_50, %broadcast_in_dim3A_127 : vector<256x2048xi1>, vector<256x2048xi32>
    %reduce_min3A_129 = arith.constant dense<2147483647> : vector<256xi32>
    %reduce_min3A_130 = vector.multi_reduction <minsi>, %select_n3A_128, %reduce_min3A_129 [1] : vector<256x2048xi32> to vector<256xi32>
    %broadcast_in_dim3A_131 = vector.shape_cast %reduce_min3A_130 : vector<256xi32> to vector<256x1xi32>
    %eq3A_132 = arith.constant 5 : i32
    %eq3A_133 = vector.broadcast %eq3A_132 : i32 to vector<256x16xi32>
    %eq3A_134 = arith.cmpi eq, %iota3A_51, %eq3A_133 : vector<256x16xi32>
    %broadcast_in_dim3A_135 = vector.shape_cast %broadcast_in_dim3A_131 : vector<256x1xi32> to vector<256x1xi32>
    %broadcast_in_dim3A_136 = vector.broadcast %broadcast_in_dim3A_135 : vector<256x1xi32> to vector<256x16xi32>
    %select_n3A_137 = arith.select %eq3A_134, %broadcast_in_dim3A_136, %select_n3A_122 : vector<256x16xi1>, vector<256x16xi32>
    %ne3A_138 = vector.broadcast %broadcast_in_dim3A_131 : vector<256x1xi32> to vector<256x2048xi32>
    %ne3A_139 = arith.cmpi ne, %iota3A_50, %ne3A_138 : vector<256x2048xi32>
    %and3A_140 = arith.andi %and3A_125, %ne3A_139 : vector<256x2048xi1>
    %jit3A_141 = arith.constant 2048 : i32
    %broadcast_in_dim3A_142 = vector.broadcast %jit3A_141 : i32 to vector<256x2048xi32>
    %select_n3A_143 = arith.select %and3A_140, %iota3A_50, %broadcast_in_dim3A_142 : vector<256x2048xi1>, vector<256x2048xi32>
    %reduce_min3A_144 = arith.constant dense<2147483647> : vector<256xi32>
    %reduce_min3A_145 = vector.multi_reduction <minsi>, %select_n3A_143, %reduce_min3A_144 [1] : vector<256x2048xi32> to vector<256xi32>
    %broadcast_in_dim3A_146 = vector.shape_cast %reduce_min3A_145 : vector<256xi32> to vector<256x1xi32>
    %eq3A_147 = arith.constant 6 : i32
    %eq3A_148 = vector.broadcast %eq3A_147 : i32 to vector<256x16xi32>
    %eq3A_149 = arith.cmpi eq, %iota3A_51, %eq3A_148 : vector<256x16xi32>
    %broadcast_in_dim3A_150 = vector.shape_cast %broadcast_in_dim3A_146 : vector<256x1xi32> to vector<256x1xi32>
    %broadcast_in_dim3A_151 = vector.broadcast %broadcast_in_dim3A_150 : vector<256x1xi32> to vector<256x16xi32>
    %select_n3A_152 = arith.select %eq3A_149, %broadcast_in_dim3A_151, %select_n3A_137 : vector<256x16xi1>, vector<256x16xi32>
    %ne3A_153 = vector.broadcast %broadcast_in_dim3A_146 : vector<256x1xi32> to vector<256x2048xi32>
    %ne3A_154 = arith.cmpi ne, %iota3A_50, %ne3A_153 : vector<256x2048xi32>
    %and3A_155 = arith.andi %and3A_140, %ne3A_154 : vector<256x2048xi1>
    %jit3A_156 = arith.constant 2048 : i32
    %broadcast_in_dim3A_157 = vector.broadcast %jit3A_156 : i32 to vector<256x2048xi32>
    %select_n3A_158 = arith.select %and3A_155, %iota3A_50, %broadcast_in_dim3A_157 : vector<256x2048xi1>, vector<256x2048xi32>
    %reduce_min3A_159 = arith.constant dense<2147483647> : vector<256xi32>
    %reduce_min3A_160 = vector.multi_reduction <minsi>, %select_n3A_158, %reduce_min3A_159 [1] : vector<256x2048xi32> to vector<256xi32>
    %broadcast_in_dim3A_161 = vector.shape_cast %reduce_min3A_160 : vector<256xi32> to vector<256x1xi32>
    %eq3A_162 = arith.constant 7 : i32
    %eq3A_163 = vector.broadcast %eq3A_162 : i32 to vector<256x16xi32>
    %eq3A_164 = arith.cmpi eq, %iota3A_51, %eq3A_163 : vector<256x16xi32>
    %broadcast_in_dim3A_165 = vector.shape_cast %broadcast_in_dim3A_161 : vector<256x1xi32> to vector<256x1xi32>
    %broadcast_in_dim3A_166 = vector.broadcast %broadcast_in_dim3A_165 : vector<256x1xi32> to vector<256x16xi32>
    %select_n3A_167 = arith.select %eq3A_164, %broadcast_in_dim3A_166, %select_n3A_152 : vector<256x16xi1>, vector<256x16xi32>
    %ne3A_168 = vector.broadcast %broadcast_in_dim3A_161 : vector<256x1xi32> to vector<256x2048xi32>
    %ne3A_169 = arith.cmpi ne, %iota3A_50, %ne3A_168 : vector<256x2048xi32>
    %and3A_170 = arith.andi %and3A_155, %ne3A_169 : vector<256x2048xi1>
    %jit3A_171 = arith.constant 2048 : i32
    %broadcast_in_dim3A_172 = vector.broadcast %jit3A_171 : i32 to vector<256x2048xi32>
    %select_n3A_173 = arith.select %and3A_170, %iota3A_50, %broadcast_in_dim3A_172 : vector<256x2048xi1>, vector<256x2048xi32>
    %reduce_min3A_174 = arith.constant dense<2147483647> : vector<256xi32>
    %reduce_min3A_175 = vector.multi_reduction <minsi>, %select_n3A_173, %reduce_min3A_174 [1] : vector<256x2048xi32> to vector<256xi32>
    %broadcast_in_dim3A_176 = vector.shape_cast %reduce_min3A_175 : vector<256xi32> to vector<256x1xi32>
    %eq3A_177 = arith.constant 8 : i32
    %eq3A_178 = vector.broadcast %eq3A_177 : i32 to vector<256x16xi32>
    %eq3A_179 = arith.cmpi eq, %iota3A_51, %eq3A_178 : vector<256x16xi32>
    %broadcast_in_dim3A_180 = vector.shape_cast %broadcast_in_dim3A_176 : vector<256x1xi32> to vector<256x1xi32>
    %broadcast_in_dim3A_181 = vector.broadcast %broadcast_in_dim3A_180 : vector<256x1xi32> to vector<256x16xi32>
    %select_n3A_182 = arith.select %eq3A_179, %broadcast_in_dim3A_181, %select_n3A_167 : vector<256x16xi1>, vector<256x16xi32>
    %ne3A_183 = vector.broadcast %broadcast_in_dim3A_176 : vector<256x1xi32> to vector<256x2048xi32>
    %ne3A_184 = arith.cmpi ne, %iota3A_50, %ne3A_183 : vector<256x2048xi32>
    %and3A_185 = arith.andi %and3A_170, %ne3A_184 : vector<256x2048xi1>
    %jit3A_186 = arith.constant 2048 : i32
    %broadcast_in_dim3A_187 = vector.broadcast %jit3A_186 : i32 to vector<256x2048xi32>
    %select_n3A_188 = arith.select %and3A_185, %iota3A_50, %broadcast_in_dim3A_187 : vector<256x2048xi1>, vector<256x2048xi32>
    %reduce_min3A_189 = arith.constant dense<2147483647> : vector<256xi32>
    %reduce_min3A_190 = vector.multi_reduction <minsi>, %select_n3A_188, %reduce_min3A_189 [1] : vector<256x2048xi32> to vector<256xi32>
    %broadcast_in_dim3A_191 = vector.shape_cast %reduce_min3A_190 : vector<256xi32> to vector<256x1xi32>
    %eq3A_192 = arith.constant 9 : i32
    %eq3A_193 = vector.broadcast %eq3A_192 : i32 to vector<256x16xi32>
    %eq3A_194 = arith.cmpi eq, %iota3A_51, %eq3A_193 : vector<256x16xi32>
    %broadcast_in_dim3A_195 = vector.shape_cast %broadcast_in_dim3A_191 : vector<256x1xi32> to vector<256x1xi32>
    %broadcast_in_dim3A_196 = vector.broadcast %broadcast_in_dim3A_195 : vector<256x1xi32> to vector<256x16xi32>
    %select_n3A_197 = arith.select %eq3A_194, %broadcast_in_dim3A_196, %select_n3A_182 : vector<256x16xi1>, vector<256x16xi32>
    %ne3A_198 = vector.broadcast %broadcast_in_dim3A_191 : vector<256x1xi32> to vector<256x2048xi32>
    %ne3A_199 = arith.cmpi ne, %iota3A_50, %ne3A_198 : vector<256x2048xi32>
    %and3A_200 = arith.andi %and3A_185, %ne3A_199 : vector<256x2048xi1>
    %jit3A_201 = arith.constant 2048 : i32
    %broadcast_in_dim3A_202 = vector.broadcast %jit3A_201 : i32 to vector<256x2048xi32>
    %select_n3A_203 = arith.select %and3A_200, %iota3A_50, %broadcast_in_dim3A_202 : vector<256x2048xi1>, vector<256x2048xi32>
    %reduce_min3A_204 = arith.constant dense<2147483647> : vector<256xi32>
    %reduce_min3A_205 = vector.multi_reduction <minsi>, %select_n3A_203, %reduce_min3A_204 [1] : vector<256x2048xi32> to vector<256xi32>
    %broadcast_in_dim3A_206 = vector.shape_cast %reduce_min3A_205 : vector<256xi32> to vector<256x1xi32>
    %eq3A_207 = arith.constant 10 : i32
    %eq3A_208 = vector.broadcast %eq3A_207 : i32 to vector<256x16xi32>
    %eq3A_209 = arith.cmpi eq, %iota3A_51, %eq3A_208 : vector<256x16xi32>
    %broadcast_in_dim3A_210 = vector.shape_cast %broadcast_in_dim3A_206 : vector<256x1xi32> to vector<256x1xi32>
    %broadcast_in_dim3A_211 = vector.broadcast %broadcast_in_dim3A_210 : vector<256x1xi32> to vector<256x16xi32>
    %select_n3A_212 = arith.select %eq3A_209, %broadcast_in_dim3A_211, %select_n3A_197 : vector<256x16xi1>, vector<256x16xi32>
    %ne3A_213 = vector.broadcast %broadcast_in_dim3A_206 : vector<256x1xi32> to vector<256x2048xi32>
    %ne3A_214 = arith.cmpi ne, %iota3A_50, %ne3A_213 : vector<256x2048xi32>
    %and3A_215 = arith.andi %and3A_200, %ne3A_214 : vector<256x2048xi1>
    %jit3A_216 = arith.constant 2048 : i32
    %broadcast_in_dim3A_217 = vector.broadcast %jit3A_216 : i32 to vector<256x2048xi32>
    %select_n3A_218 = arith.select %and3A_215, %iota3A_50, %broadcast_in_dim3A_217 : vector<256x2048xi1>, vector<256x2048xi32>
    %reduce_min3A_219 = arith.constant dense<2147483647> : vector<256xi32>
    %reduce_min3A_220 = vector.multi_reduction <minsi>, %select_n3A_218, %reduce_min3A_219 [1] : vector<256x2048xi32> to vector<256xi32>
    %broadcast_in_dim3A_221 = vector.shape_cast %reduce_min3A_220 : vector<256xi32> to vector<256x1xi32>
    %eq3A_222 = arith.constant 11 : i32
    %eq3A_223 = vector.broadcast %eq3A_222 : i32 to vector<256x16xi32>
    %eq3A_224 = arith.cmpi eq, %iota3A_51, %eq3A_223 : vector<256x16xi32>
    %broadcast_in_dim3A_225 = vector.shape_cast %broadcast_in_dim3A_221 : vector<256x1xi32> to vector<256x1xi32>
    %broadcast_in_dim3A_226 = vector.broadcast %broadcast_in_dim3A_225 : vector<256x1xi32> to vector<256x16xi32>
    %select_n3A_227 = arith.select %eq3A_224, %broadcast_in_dim3A_226, %select_n3A_212 : vector<256x16xi1>, vector<256x16xi32>
    %ne3A_228 = vector.broadcast %broadcast_in_dim3A_221 : vector<256x1xi32> to vector<256x2048xi32>
    %ne3A_229 = arith.cmpi ne, %iota3A_50, %ne3A_228 : vector<256x2048xi32>
    %and3A_230 = arith.andi %and3A_215, %ne3A_229 : vector<256x2048xi1>
    %jit3A_231 = arith.constant 2048 : i32
    %broadcast_in_dim3A_232 = vector.broadcast %jit3A_231 : i32 to vector<256x2048xi32>
    %select_n3A_233 = arith.select %and3A_230, %iota3A_50, %broadcast_in_dim3A_232 : vector<256x2048xi1>, vector<256x2048xi32>
    %reduce_min3A_234 = arith.constant dense<2147483647> : vector<256xi32>
    %reduce_min3A_235 = vector.multi_reduction <minsi>, %select_n3A_233, %reduce_min3A_234 [1] : vector<256x2048xi32> to vector<256xi32>
    %broadcast_in_dim3A_236 = vector.shape_cast %reduce_min3A_235 : vector<256xi32> to vector<256x1xi32>
    %eq3A_237 = arith.constant 12 : i32
    %eq3A_238 = vector.broadcast %eq3A_237 : i32 to vector<256x16xi32>
    %eq3A_239 = arith.cmpi eq, %iota3A_51, %eq3A_238 : vector<256x16xi32>
    %broadcast_in_dim3A_240 = vector.shape_cast %broadcast_in_dim3A_236 : vector<256x1xi32> to vector<256x1xi32>
    %broadcast_in_dim3A_241 = vector.broadcast %broadcast_in_dim3A_240 : vector<256x1xi32> to vector<256x16xi32>
    %select_n3A_242 = arith.select %eq3A_239, %broadcast_in_dim3A_241, %select_n3A_227 : vector<256x16xi1>, vector<256x16xi32>
    %ne3A_243 = vector.broadcast %broadcast_in_dim3A_236 : vector<256x1xi32> to vector<256x2048xi32>
    %ne3A_244 = arith.cmpi ne, %iota3A_50, %ne3A_243 : vector<256x2048xi32>
    %and3A_245 = arith.andi %and3A_230, %ne3A_244 : vector<256x2048xi1>
    %jit3A_246 = arith.constant 2048 : i32
    %broadcast_in_dim3A_247 = vector.broadcast %jit3A_246 : i32 to vector<256x2048xi32>
    %select_n3A_248 = arith.select %and3A_245, %iota3A_50, %broadcast_in_dim3A_247 : vector<256x2048xi1>, vector<256x2048xi32>
    %reduce_min3A_249 = arith.constant dense<2147483647> : vector<256xi32>
    %reduce_min3A_250 = vector.multi_reduction <minsi>, %select_n3A_248, %reduce_min3A_249 [1] : vector<256x2048xi32> to vector<256xi32>
    %broadcast_in_dim3A_251 = vector.shape_cast %reduce_min3A_250 : vector<256xi32> to vector<256x1xi32>
    %eq3A_252 = arith.constant 13 : i32
    %eq3A_253 = vector.broadcast %eq3A_252 : i32 to vector<256x16xi32>
    %eq3A_254 = arith.cmpi eq, %iota3A_51, %eq3A_253 : vector<256x16xi32>
    %broadcast_in_dim3A_255 = vector.shape_cast %broadcast_in_dim3A_251 : vector<256x1xi32> to vector<256x1xi32>
    %broadcast_in_dim3A_256 = vector.broadcast %broadcast_in_dim3A_255 : vector<256x1xi32> to vector<256x16xi32>
    %select_n3A_257 = arith.select %eq3A_254, %broadcast_in_dim3A_256, %select_n3A_242 : vector<256x16xi1>, vector<256x16xi32>
    %ne3A_258 = vector.broadcast %broadcast_in_dim3A_251 : vector<256x1xi32> to vector<256x2048xi32>
    %ne3A_259 = arith.cmpi ne, %iota3A_50, %ne3A_258 : vector<256x2048xi32>
    %and3A_260 = arith.andi %and3A_245, %ne3A_259 : vector<256x2048xi1>
    %jit3A_261 = arith.constant 2048 : i32
    %broadcast_in_dim3A_262 = vector.broadcast %jit3A_261 : i32 to vector<256x2048xi32>
    %select_n3A_263 = arith.select %and3A_260, %iota3A_50, %broadcast_in_dim3A_262 : vector<256x2048xi1>, vector<256x2048xi32>
    %reduce_min3A_264 = arith.constant dense<2147483647> : vector<256xi32>
    %reduce_min3A_265 = vector.multi_reduction <minsi>, %select_n3A_263, %reduce_min3A_264 [1] : vector<256x2048xi32> to vector<256xi32>
    %broadcast_in_dim3A_266 = vector.shape_cast %reduce_min3A_265 : vector<256xi32> to vector<256x1xi32>
    %eq3A_267 = arith.constant 14 : i32
    %eq3A_268 = vector.broadcast %eq3A_267 : i32 to vector<256x16xi32>
    %eq3A_269 = arith.cmpi eq, %iota3A_51, %eq3A_268 : vector<256x16xi32>
    %broadcast_in_dim3A_270 = vector.shape_cast %broadcast_in_dim3A_266 : vector<256x1xi32> to vector<256x1xi32>
    %broadcast_in_dim3A_271 = vector.broadcast %broadcast_in_dim3A_270 : vector<256x1xi32> to vector<256x16xi32>
    %select_n3A_272 = arith.select %eq3A_269, %broadcast_in_dim3A_271, %select_n3A_257 : vector<256x16xi1>, vector<256x16xi32>
    %ne3A_273 = vector.broadcast %broadcast_in_dim3A_266 : vector<256x1xi32> to vector<256x2048xi32>
    %ne3A_274 = arith.cmpi ne, %iota3A_50, %ne3A_273 : vector<256x2048xi32>
    %and3A_275 = arith.andi %and3A_260, %ne3A_274 : vector<256x2048xi1>
    %jit3A_276 = arith.constant 2048 : i32
    %broadcast_in_dim3A_277 = vector.broadcast %jit3A_276 : i32 to vector<256x2048xi32>
    %select_n3A_278 = arith.select %and3A_275, %iota3A_50, %broadcast_in_dim3A_277 : vector<256x2048xi1>, vector<256x2048xi32>
    %reduce_min3A_279 = arith.constant dense<2147483647> : vector<256xi32>
    %reduce_min3A_280 = vector.multi_reduction <minsi>, %select_n3A_278, %reduce_min3A_279 [1] : vector<256x2048xi32> to vector<256xi32>
    %broadcast_in_dim3A_281 = vector.shape_cast %reduce_min3A_280 : vector<256xi32> to vector<256x1xi32>
    %eq3A_282 = arith.constant 15 : i32
    %eq3A_283 = vector.broadcast %eq3A_282 : i32 to vector<256x16xi32>
    %eq3A_284 = arith.cmpi eq, %iota3A_51, %eq3A_283 : vector<256x16xi32>
    %broadcast_in_dim3A_285 = vector.shape_cast %broadcast_in_dim3A_281 : vector<256x1xi32> to vector<256x1xi32>
    %broadcast_in_dim3A_286 = vector.broadcast %broadcast_in_dim3A_285 : vector<256x1xi32> to vector<256x16xi32>
    %select_n3A_287 = arith.select %eq3A_284, %broadcast_in_dim3A_286, %select_n3A_272 : vector<256x16xi1>, vector<256x16xi32>
    %slice3A_288 = vector.extract_strided_slice %select_n3A_287 {offsets = [0, 0], sizes = [256, 1], strides = [1, 1]} : vector<256x16xi32> to vector<256x1xi32>
    %eq3A_289 = arith.constant 2048 : i32
    %eq3A_290 = vector.broadcast %eq3A_289 : i32 to vector<256x16xi32>
    %eq3A_291 = arith.cmpi eq, %select_n3A_287, %eq3A_290 : vector<256x16xi32>
    %broadcast_in_dim3A_292 = vector.shape_cast %slice3A_288 : vector<256x1xi32> to vector<256x1xi32>
    %broadcast_in_dim3A_293 = vector.broadcast %broadcast_in_dim3A_292 : vector<256x1xi32> to vector<256x16xi32>
    %select_n3A_294 = arith.select %eq3A_291, %broadcast_in_dim3A_293, %select_n3A_287 : vector<256x16xi1>, vector<256x16xi32>
    %eq3A_295 = arith.constant 2048 : i32
    %eq3A_296 = vector.broadcast %eq3A_295 : i32 to vector<256x16xi32>
    %eq3A_297 = arith.cmpi eq, %select_n3A_294, %eq3A_296 : vector<256x16xi32>
    %jit3A_298 = arith.constant 0 : i32
    %broadcast_in_dim3A_299 = vector.broadcast %jit3A_298 : i32 to vector<256x16xi32>
    %select_n3A_300 = arith.select %eq3A_297, %broadcast_in_dim3A_299, %select_n3A_294 : vector<256x16xi1>, vector<256x16xi32>
    %swap3A_301 = arith.constant 0 : index
    %swap3A_302 = arith.constant 0 : index
    %swap3A_303 = arith.constant 0 : index
    %swap3A_304 = vector.load %arg6[%swap3A_301, %swap3A_302, %swap3A_303] : memref<1x256x16xi32, #tpu.memory_space<vmem>>, vector<1x256x16xi32>
    %swap3A_305 = vector.shape_cast %swap3A_304 : vector<1x256x16xi32> to vector<256x16xi32>
    %swap3A_306 = vector.shape_cast %select_n3A_300 : vector<256x16xi32> to vector<1x256x16xi32>
    tpu.vector_store %arg6[%swap3A_301, %swap3A_302, %swap3A_303], %swap3A_306 {strides = array<i32>} : memref<1x256x16xi32, #tpu.memory_space<vmem>>, vector<1x256x16xi32>,
    return
  }
  func.func @transform_0(%arg0: i32) -> (i32, i32) {
    %c0_i32 = arith.constant 0 : i32
    %c0_i32_0 = arith.constant 0 : i32
    %c0_i32_1 = arith.constant 0 : i32
    return %c0_i32, %c0_i32_0 : i32, i32
  }
  func.func @transform_1(%arg0: i32) -> (i32, i32, i32) {
    %c0_i32 = arith.constant 0 : i32
    %c0_i32_0 = arith.constant 0 : i32
    %c0_i32_1 = arith.constant 0 : i32
    return %arg0, %c0_i32, %c0_i32_0 : i32, i32, i32
  }
  func.func @transform_2(%arg0: i32) -> (i32, i32, i32) {
    %c0_i32 = arith.constant 0 : i32
    %c0_i32_0 = arith.constant 0 : i32
    %c0_i32_1 = arith.constant 0 : i32
    return %arg0, %c0_i32, %c0_i32_0 : i32, i32, i32
  }
  func.func @transform_3(%arg0: i32) -> (i32, i32, i32) {
    %c0_i32 = arith.constant 0 : i32
    %c0_i32_0 = arith.constant 0 : i32
    %c0_i32_1 = arith.constant 0 : i32
    return %arg0, %c0_i32, %c0_i32_0 : i32, i32, i32
  }
  func.func @transform_4(%arg0: i32) -> (i32, i32, i32) {
    %c0_i32 = arith.constant 0 : i32
    %c0_i32_0 = arith.constant 0 : i32
    %c0_i32_1 = arith.constant 0 : i32
    return %arg0, %c0_i32, %c0_i32_0 : i32, i32, i32
  }
  func.func @transform_5(%arg0: i32) -> (i32, i32, i32) {
    %c0_i32 = arith.constant 0 : i32
    %c0_i32_0 = arith.constant 0 : i32
    %c0_i32_1 = arith.constant 0 : i32
    return %arg0, %c0_i32, %c0_i32_0 : i32, i32, i32
  }
}

module attributes {stable_mosaic.version = 14 : i64} {
  func.func @_y1_corr_kernel(%arg0: i32, %arg1: memref<1x256xf32, #tpu.memory_space<vmem>>, %arg2: memref<2048x256xf32, #tpu.memory_space<vmem>>, %arg3: memref<128x256xf32, #tpu.memory_space<vmem>>, %arg4: memref<2048x256xf32, #tpu.memory_space<vmem>>, %arg5: memref<1x256xf32, #tpu.memory_space<vmem>>, %arg6: memref<1x256xf32, #tpu.memory_space<vmem>>) attributes {dimension_semantics = [#tpu.dimension_semantics<arbitrary>], iteration_bounds = array<i64: 16>, scalar_prefetch = 0 : i64, scratch_operands = 0 : i64, tpu.core_type = #tpu.core_type<tc>, window_params = [{pipeline_mode = #tpu.pipeline_mode<synchronous>, transform_indices = @transform_0, window_bounds = array<i64: 1, 256>}, {transform_indices = @transform_1, window_bounds = array<i64: 2048, 256>}, {transform_indices = @transform_2, window_bounds = array<i64: 128, 256>}, {transform_indices = @transform_3, window_bounds = array<i64: 2048, 256>}, {pipeline_mode = #tpu.pipeline_mode<synchronous>, transform_indices = @transform_4, window_bounds = array<i64: 1, 256>}, {pipeline_mode = #tpu.pipeline_mode<synchronous>, transform_indices = @transform_5, window_bounds = array<i64: 1, 256>}]} {
    %get3A = arith.constant 0 : index
    %get3A_0 = arith.constant 0 : index
    %get3A_1 = vector.load %arg3[%get3A, %get3A_0] : memref<128x256xf32, #tpu.memory_space<vmem>>, vector<128x256xf32>
    %broadcast_in_dim3A = vector.shape_cast %get3A_1 : vector<128x256xf32> to vector<128x1x256xf32>
    %broadcast_in_dim3A_2 = vector.shape_cast %broadcast_in_dim3A : vector<128x1x256xf32> to vector<128x1x256xf32>
    %broadcast_in_dim3A_3 = vector.broadcast %broadcast_in_dim3A_2 : vector<128x1x256xf32> to vector<128x16x256xf32>
    %reshape3A = vector.shape_cast %broadcast_in_dim3A_3 : vector<128x16x256xf32> to vector<2048x256xf32>
    %get3A_4 = arith.constant 0 : index
    %get3A_5 = arith.constant 0 : index
    %get3A_6 = vector.load %arg2[%get3A_4, %get3A_5] : memref<2048x256xf32, #tpu.memory_space<vmem>>, vector<2048x256xf32>
    %sub3A = arith.subf %get3A_6, %reshape3A : vector<2048x256xf32>
    %get3A_7 = arith.constant 0 : index
    %get3A_8 = arith.constant 0 : index
    %get3A_9 = vector.load %arg1[%get3A_7, %get3A_8] : memref<1x256xf32, #tpu.memory_space<vmem>>, vector<1x256xf32>
    %add3A = vector.broadcast %get3A_9 : vector<1x256xf32> to vector<2048x256xf32>
    %add3A_10 = arith.addf %sub3A, %add3A : vector<2048x256xf32>
    %swap3A = arith.constant 0 : index
    %swap3A_11 = arith.constant 0 : index
    %swap3A_12 = vector.load %arg4[%swap3A, %swap3A_11] : memref<2048x256xf32, #tpu.memory_space<vmem>>, vector<2048x256xf32>
    tpu.vector_store %arg4[%swap3A, %swap3A_11], %add3A_10 {strides = array<i32>} : memref<2048x256xf32, #tpu.memory_space<vmem>>, vector<2048x256xf32>,
    %eq3A = arith.constant 0 : i32
    %eq3A_13 = arith.cmpi eq, %arg0, %eq3A : i32
    %convert_element_type3A = arith.extui %eq3A_13 : i1 to i32
    %cond3A = arith.constant 0 : i32
    %cond3A_14 = arith.cmpi ne, %convert_element_type3A, %cond3A : i32
    scf.if %cond3A_14 {
      %broadcast_in_dim3A_34 = arith.constant 0.000000e+00 : f32
      %broadcast_in_dim3A_35 = vector.broadcast %broadcast_in_dim3A_34 : f32 to vector<1x256xf32>
      %swap3A_36 = arith.constant 0 : index
      %swap3A_37 = arith.constant 0 : index
      %swap3A_38 = vector.load %arg5[%swap3A_36, %swap3A_37] : memref<1x256xf32, #tpu.memory_space<vmem>>, vector<1x256xf32>
      tpu.vector_store %arg5[%swap3A_36, %swap3A_37], %broadcast_in_dim3A_35 {strides = array<i32>} : memref<1x256xf32, #tpu.memory_space<vmem>>, vector<1x256xf32>,
      %broadcast_in_dim3A_39 = arith.constant 0.000000e+00 : f32
      %broadcast_in_dim3A_40 = vector.broadcast %broadcast_in_dim3A_39 : f32 to vector<1x256xf32>
      %swap3A_41 = arith.constant 0 : index
      %swap3A_42 = arith.constant 0 : index
      %swap3A_43 = vector.load %arg6[%swap3A_41, %swap3A_42] : memref<1x256xf32, #tpu.memory_space<vmem>>, vector<1x256xf32>
      tpu.vector_store %arg6[%swap3A_41, %swap3A_42], %broadcast_in_dim3A_40 {strides = array<i32>} : memref<1x256xf32, #tpu.memory_space<vmem>>, vector<1x256xf32>,
    } else {
    }
    %get3A_15 = arith.constant 0 : index
    %get3A_16 = arith.constant 0 : index
    %get3A_17 = vector.load %arg5[%get3A_15, %get3A_16] : memref<1x256xf32, #tpu.memory_space<vmem>>, vector<1x256xf32>
    %reduce_sum3A = arith.constant dense<0.000000e+00> : vector<256xf32>
    %reduce_sum3A_18 = vector.multi_reduction <add>, %add3A_10, %reduce_sum3A [0] : vector<2048x256xf32> to vector<256xf32>
    %broadcast_in_dim3A_19 = vector.shape_cast %reduce_sum3A_18 : vector<256xf32> to vector<1x256xf32>
    %add3A_20 = arith.addf %get3A_17, %broadcast_in_dim3A_19 : vector<1x256xf32>
    %swap3A_21 = arith.constant 0 : index
    %swap3A_22 = arith.constant 0 : index
    %swap3A_23 = vector.load %arg5[%swap3A_21, %swap3A_22] : memref<1x256xf32, #tpu.memory_space<vmem>>, vector<1x256xf32>
    tpu.vector_store %arg5[%swap3A_21, %swap3A_22], %add3A_20 {strides = array<i32>} : memref<1x256xf32, #tpu.memory_space<vmem>>, vector<1x256xf32>,
    %get3A_24 = arith.constant 0 : index
    %get3A_25 = arith.constant 0 : index
    %get3A_26 = vector.load %arg6[%get3A_24, %get3A_25] : memref<1x256xf32, #tpu.memory_space<vmem>>, vector<1x256xf32>
    %mul3A = arith.mulf %add3A_10, %add3A_10 : vector<2048x256xf32>
    %reduce_sum3A_27 = arith.constant dense<0.000000e+00> : vector<256xf32>
    %reduce_sum3A_28 = vector.multi_reduction <add>, %mul3A, %reduce_sum3A_27 [0] : vector<2048x256xf32> to vector<256xf32>
    %broadcast_in_dim3A_29 = vector.shape_cast %reduce_sum3A_28 : vector<256xf32> to vector<1x256xf32>
    %add3A_30 = arith.addf %get3A_26, %broadcast_in_dim3A_29 : vector<1x256xf32>
    %swap3A_31 = arith.constant 0 : index
    %swap3A_32 = arith.constant 0 : index
    %swap3A_33 = vector.load %arg6[%swap3A_31, %swap3A_32] : memref<1x256xf32, #tpu.memory_space<vmem>>, vector<1x256xf32>
    tpu.vector_store %arg6[%swap3A_31, %swap3A_32], %add3A_30 {strides = array<i32>} : memref<1x256xf32, #tpu.memory_space<vmem>>, vector<1x256xf32>,
    return
  }
  func.func @transform_0(%arg0: i32) -> (i32, i32) {
    %c0_i32 = arith.constant 0 : i32
    %c0_i32_0 = arith.constant 0 : i32
    %c0_i32_1 = arith.constant 0 : i32
    return %c0_i32, %c0_i32_0 : i32, i32
  }
  func.func @transform_1(%arg0: i32) -> (i32, i32) {
    %c0_i32 = arith.constant 0 : i32
    %c0_i32_0 = arith.constant 0 : i32
    return %arg0, %c0_i32 : i32, i32
  }
  func.func @transform_2(%arg0: i32) -> (i32, i32) {
    %c0_i32 = arith.constant 0 : i32
    %c0_i32_0 = arith.constant 0 : i32
    return %arg0, %c0_i32 : i32, i32
  }
  func.func @transform_3(%arg0: i32) -> (i32, i32) {
    %c0_i32 = arith.constant 0 : i32
    %c0_i32_0 = arith.constant 0 : i32
    return %arg0, %c0_i32 : i32, i32
  }
  func.func @transform_4(%arg0: i32) -> (i32, i32) {
    %c0_i32 = arith.constant 0 : i32
    %c0_i32_0 = arith.constant 0 : i32
    %c0_i32_1 = arith.constant 0 : i32
    return %c0_i32, %c0_i32_0 : i32, i32
  }
  func.func @transform_5(%arg0: i32) -> (i32, i32) {
    %c0_i32 = arith.constant 0 : i32
    %c0_i32_0 = arith.constant 0 : i32
    %c0_i32_1 = arith.constant 0 : i32
    return %c0_i32, %c0_i32_0 : i32, i32
  }
}

module attributes {stable_mosaic.version = 14 : i64} {
  func.func @_bn_mm_stats_pm_kernel(%arg0: i32, %arg1: memref<256x256xf32, #tpu.memory_space<vmem>>, %arg2: memref<1x256xf32, #tpu.memory_space<vmem>>, %arg3: memref<1x256xf32, #tpu.memory_space<vmem>>, %arg4: memref<1x256xf32, #tpu.memory_space<vmem>>, %arg5: memref<1x256xf32, #tpu.memory_space<vmem>>, %arg6: memref<1x256xf32, #tpu.memory_space<vmem>>, %arg7: memref<2048x256xf32, #tpu.memory_space<vmem>>, %arg8: memref<2048x256xf32, #tpu.memory_space<vmem>>, %arg9: memref<1x256xf32, #tpu.memory_space<vmem>>, %arg10: memref<1x256xf32, #tpu.memory_space<vmem>>) attributes {dimension_semantics = [#tpu.dimension_semantics<arbitrary>], iteration_bounds = array<i64: 16>, scalar_prefetch = 0 : i64, scratch_operands = 0 : i64, tpu.core_type = #tpu.core_type<tc>, window_params = [{pipeline_mode = #tpu.pipeline_mode<synchronous>, transform_indices = @transform_0, window_bounds = array<i64: 256, 256>}, {pipeline_mode = #tpu.pipeline_mode<synchronous>, transform_indices = @transform_1, window_bounds = array<i64: 1, 256>}, {pipeline_mode = #tpu.pipeline_mode<synchronous>, transform_indices = @transform_2, window_bounds = array<i64: 1, 256>}, {pipeline_mode = #tpu.pipeline_mode<synchronous>, transform_indices = @transform_3, window_bounds = array<i64: 1, 256>}, {pipeline_mode = #tpu.pipeline_mode<synchronous>, transform_indices = @transform_4, window_bounds = array<i64: 1, 256>}, {pipeline_mode = #tpu.pipeline_mode<synchronous>, transform_indices = @transform_5, window_bounds = array<i64: 1, 256>}, {transform_indices = @transform_6, window_bounds = array<i64: 2048, 256>}, {transform_indices = @transform_7, window_bounds = array<i64: 2048, 256>}, {pipeline_mode = #tpu.pipeline_mode<synchronous>, transform_indices = @transform_8, window_bounds = array<i64: 1, 256>}, {pipeline_mode = #tpu.pipeline_mode<synchronous>, transform_indices = @transform_9, window_bounds = array<i64: 1, 256>}]} {
    %get3A = arith.constant 0 : index
    %get3A_0 = arith.constant 0 : index
    %get3A_1 = vector.load %arg5[%get3A, %get3A_0] : memref<1x256xf32, #tpu.memory_space<vmem>>, vector<1x256xf32>
    %div3A = arith.constant 3.276800e+04 : f32
    %div3A_2 = vector.broadcast %div3A : f32 to vector<1x256xf32>
    %div3A_3 = arith.divf %get3A_1, %div3A_2 : vector<1x256xf32>
    %get3A_4 = arith.constant 0 : index
    %get3A_5 = arith.constant 0 : index
    %get3A_6 = vector.load %arg6[%get3A_4, %get3A_5] : memref<1x256xf32, #tpu.memory_space<vmem>>, vector<1x256xf32>
    %div3A_7 = arith.constant 3.276800e+04 : f32
    %div3A_8 = vector.broadcast %div3A_7 : f32 to vector<1x256xf32>
    %div3A_9 = arith.divf %get3A_6, %div3A_8 : vector<1x256xf32>
    %mul3A = arith.mulf %div3A_3, %div3A_3 : vector<1x256xf32>
    %sub3A = arith.subf %div3A_9, %mul3A : vector<1x256xf32>
    %add3A = arith.constant 9.99999974E-6 : f32
    %add3A_10 = vector.broadcast %add3A : f32 to vector<1x256xf32>
    %add3A_11 = arith.addf %sub3A, %add3A_10 : vector<1x256xf32>
    %rsqrt3A = math.rsqrt %add3A_11 : vector<1x256xf32>
    %get3A_12 = arith.constant 0 : index
    %get3A_13 = arith.constant 0 : index
    %get3A_14 = vector.load %arg7[%get3A_12, %get3A_13] : memref<2048x256xf32, #tpu.memory_space<vmem>>, vector<2048x256xf32>
    %sub3A_15 = vector.broadcast %div3A_3 : vector<1x256xf32> to vector<2048x256xf32>
    %sub3A_16 = arith.subf %get3A_14, %sub3A_15 : vector<2048x256xf32>
    %mul3A_17 = vector.broadcast %rsqrt3A : vector<1x256xf32> to vector<2048x256xf32>
    %mul3A_18 = arith.mulf %sub3A_16, %mul3A_17 : vector<2048x256xf32>
    %get3A_19 = arith.constant 0 : index
    %get3A_20 = arith.constant 0 : index
    %get3A_21 = vector.load %arg3[%get3A_19, %get3A_20] : memref<1x256xf32, #tpu.memory_space<vmem>>, vector<1x256xf32>
    %mul3A_22 = vector.broadcast %get3A_21 : vector<1x256xf32> to vector<2048x256xf32>
    %mul3A_23 = arith.mulf %mul3A_18, %mul3A_22 : vector<2048x256xf32>
    %get3A_24 = arith.constant 0 : index
    %get3A_25 = arith.constant 0 : index
    %get3A_26 = vector.load %arg4[%get3A_24, %get3A_25] : memref<1x256xf32, #tpu.memory_space<vmem>>, vector<1x256xf32>
    %add3A_27 = vector.broadcast %get3A_26 : vector<1x256xf32> to vector<2048x256xf32>
    %add3A_28 = arith.addf %mul3A_23, %add3A_27 : vector<2048x256xf32>
    %max3A = arith.constant 0.000000e+00 : f32
    %max3A_29 = vector.broadcast %max3A : f32 to vector<2048x256xf32>
    %max3A_30 = arith.maximumf %add3A_28, %max3A_29 : vector<2048x256xf32>
    %get3A_31 = arith.constant 0 : index
    %get3A_32 = arith.constant 0 : index
    %get3A_33 = vector.load %arg1[%get3A_31, %get3A_32] : memref<256x256xf32, #tpu.memory_space<vmem>>, vector<256x256xf32>
    %dot_general3A = arith.constant dense<0.000000e+00> : vector<2048x256xf32>
    %dot_general3A_34 = tpu.matmul %max3A_30, %get3A_33, %dot_general3A {dimension_numbers = #tpu.dot_dimension_numbers<[1], [1], [0], [0], [0, 0, 1, 0], [], []>, transpose_lhs_hint = false} : vector<2048x256xf32>, vector<256x256xf32>, vector<2048x256xf32> -> vector<2048x256xf32>
    %get3A_35 = arith.constant 0 : index
    %get3A_36 = arith.constant 0 : index
    %get3A_37 = vector.load %arg2[%get3A_35, %get3A_36] : memref<1x256xf32, #tpu.memory_space<vmem>>, vector<1x256xf32>
    %add3A_38 = vector.broadcast %get3A_37 : vector<1x256xf32> to vector<2048x256xf32>
    %add3A_39 = arith.addf %dot_general3A_34, %add3A_38 : vector<2048x256xf32>
    %swap3A = arith.constant 0 : index
    %swap3A_40 = arith.constant 0 : index
    %swap3A_41 = vector.load %arg8[%swap3A, %swap3A_40] : memref<2048x256xf32, #tpu.memory_space<vmem>>, vector<2048x256xf32>
    tpu.vector_store %arg8[%swap3A, %swap3A_40], %add3A_39 {strides = array<i32>} : memref<2048x256xf32, #tpu.memory_space<vmem>>, vector<2048x256xf32>,
    %eq3A = arith.constant 0 : i32
    %eq3A_42 = arith.cmpi eq, %arg0, %eq3A : i32
    %convert_element_type3A = arith.extui %eq3A_42 : i1 to i32
    %cond3A = arith.constant 0 : i32
    %cond3A_43 = arith.cmpi ne, %convert_element_type3A, %cond3A : i32
    scf.if %cond3A_43 {
      %broadcast_in_dim3A_63 = arith.constant 0.000000e+00 : f32
      %broadcast_in_dim3A_64 = vector.broadcast %broadcast_in_dim3A_63 : f32 to vector<1x256xf32>
      %swap3A_65 = arith.constant 0 : index
      %swap3A_66 = arith.constant 0 : index
      %swap3A_67 = vector.load %arg9[%swap3A_65, %swap3A_66] : memref<1x256xf32, #tpu.memory_space<vmem>>, vector<1x256xf32>
      tpu.vector_store %arg9[%swap3A_65, %swap3A_66], %broadcast_in_dim3A_64 {strides = array<i32>} : memref<1x256xf32, #tpu.memory_space<vmem>>, vector<1x256xf32>,
      %broadcast_in_dim3A_68 = arith.constant 0.000000e+00 : f32
      %broadcast_in_dim3A_69 = vector.broadcast %broadcast_in_dim3A_68 : f32 to vector<1x256xf32>
      %swap3A_70 = arith.constant 0 : index
      %swap3A_71 = arith.constant 0 : index
      %swap3A_72 = vector.load %arg10[%swap3A_70, %swap3A_71] : memref<1x256xf32, #tpu.memory_space<vmem>>, vector<1x256xf32>
      tpu.vector_store %arg10[%swap3A_70, %swap3A_71], %broadcast_in_dim3A_69 {strides = array<i32>} : memref<1x256xf32, #tpu.memory_space<vmem>>, vector<1x256xf32>,
    } else {
    }
    %get3A_44 = arith.constant 0 : index
    %get3A_45 = arith.constant 0 : index
    %get3A_46 = vector.load %arg9[%get3A_44, %get3A_45] : memref<1x256xf32, #tpu.memory_space<vmem>>, vector<1x256xf32>
    %reduce_sum3A = arith.constant dense<0.000000e+00> : vector<256xf32>
    %reduce_sum3A_47 = vector.multi_reduction <add>, %add3A_39, %reduce_sum3A [0] : vector<2048x256xf32> to vector<256xf32>
    %broadcast_in_dim3A = vector.shape_cast %reduce_sum3A_47 : vector<256xf32> to vector<1x256xf32>
    %add3A_48 = arith.addf %get3A_46, %broadcast_in_dim3A : vector<1x256xf32>
    %swap3A_49 = arith.constant 0 : index
    %swap3A_50 = arith.constant 0 : index
    %swap3A_51 = vector.load %arg9[%swap3A_49, %swap3A_50] : memref<1x256xf32, #tpu.memory_space<vmem>>, vector<1x256xf32>
    tpu.vector_store %arg9[%swap3A_49, %swap3A_50], %add3A_48 {strides = array<i32>} : memref<1x256xf32, #tpu.memory_space<vmem>>, vector<1x256xf32>,
    %get3A_52 = arith.constant 0 : index
    %get3A_53 = arith.constant 0 : index
    %get3A_54 = vector.load %arg10[%get3A_52, %get3A_53] : memref<1x256xf32, #tpu.memory_space<vmem>>, vector<1x256xf32>
    %mul3A_55 = arith.mulf %add3A_39, %add3A_39 : vector<2048x256xf32>
    %reduce_sum3A_56 = arith.constant dense<0.000000e+00> : vector<256xf32>
    %reduce_sum3A_57 = vector.multi_reduction <add>, %mul3A_55, %reduce_sum3A_56 [0] : vector<2048x256xf32> to vector<256xf32>
    %broadcast_in_dim3A_58 = vector.shape_cast %reduce_sum3A_57 : vector<256xf32> to vector<1x256xf32>
    %add3A_59 = arith.addf %get3A_54, %broadcast_in_dim3A_58 : vector<1x256xf32>
    %swap3A_60 = arith.constant 0 : index
    %swap3A_61 = arith.constant 0 : index
    %swap3A_62 = vector.load %arg10[%swap3A_60, %swap3A_61] : memref<1x256xf32, #tpu.memory_space<vmem>>, vector<1x256xf32>
    tpu.vector_store %arg10[%swap3A_60, %swap3A_61], %add3A_59 {strides = array<i32>} : memref<1x256xf32, #tpu.memory_space<vmem>>, vector<1x256xf32>,
    return
  }
  func.func @transform_0(%arg0: i32) -> (i32, i32) {
    %c0_i32 = arith.constant 0 : i32
    %c0_i32_0 = arith.constant 0 : i32
    %c0_i32_1 = arith.constant 0 : i32
    return %c0_i32, %c0_i32_0 : i32, i32
  }
  func.func @transform_1(%arg0: i32) -> (i32, i32) {
    %c0_i32 = arith.constant 0 : i32
    %c0_i32_0 = arith.constant 0 : i32
    %c0_i32_1 = arith.constant 0 : i32
    return %c0_i32, %c0_i32_0 : i32, i32
  }
  func.func @transform_2(%arg0: i32) -> (i32, i32) {
    %c0_i32 = arith.constant 0 : i32
    %c0_i32_0 = arith.constant 0 : i32
    %c0_i32_1 = arith.constant 0 : i32
    return %c0_i32, %c0_i32_0 : i32, i32
  }
  func.func @transform_3(%arg0: i32) -> (i32, i32) {
    %c0_i32 = arith.constant 0 : i32
    %c0_i32_0 = arith.constant 0 : i32
    %c0_i32_1 = arith.constant 0 : i32
    return %c0_i32, %c0_i32_0 : i32, i32
  }
  func.func @transform_4(%arg0: i32) -> (i32, i32) {
    %c0_i32 = arith.constant 0 : i32
    %c0_i32_0 = arith.constant 0 : i32
    %c0_i32_1 = arith.constant 0 : i32
    return %c0_i32, %c0_i32_0 : i32, i32
  }
  func.func @transform_5(%arg0: i32) -> (i32, i32) {
    %c0_i32 = arith.constant 0 : i32
    %c0_i32_0 = arith.constant 0 : i32
    %c0_i32_1 = arith.constant 0 : i32
    return %c0_i32, %c0_i32_0 : i32, i32
  }
  func.func @transform_6(%arg0: i32) -> (i32, i32) {
    %c0_i32 = arith.constant 0 : i32
    %c0_i32_0 = arith.constant 0 : i32
    return %arg0, %c0_i32 : i32, i32
  }
  func.func @transform_7(%arg0: i32) -> (i32, i32) {
    %c0_i32 = arith.constant 0 : i32
    %c0_i32_0 = arith.constant 0 : i32
    return %arg0, %c0_i32 : i32, i32
  }
  func.func @transform_8(%arg0: i32) -> (i32, i32) {
    %c0_i32 = arith.constant 0 : i32
    %c0_i32_0 = arith.constant 0 : i32
    %c0_i32_1 = arith.constant 0 : i32
    return %c0_i32, %c0_i32_0 : i32, i32
  }
  func.func @transform_9(%arg0: i32) -> (i32, i32) {
    %c0_i32 = arith.constant 0 : i32
    %c0_i32_0 = arith.constant 0 : i32
    %c0_i32_1 = arith.constant 0 : i32
    return %c0_i32, %c0_i32_0 : i32, i32
  }
}

module attributes {stable_mosaic.version = 14 : i64} {
  func.func @_bn_mm_pool_pm_kernel(%arg0: i32, %arg1: memref<256x256xf32, #tpu.memory_space<vmem>>, %arg2: memref<1x256xf32, #tpu.memory_space<vmem>>, %arg3: memref<1x256xf32, #tpu.memory_space<vmem>>, %arg4: memref<1x256xf32, #tpu.memory_space<vmem>>, %arg5: memref<1x256xf32, #tpu.memory_space<vmem>>, %arg6: memref<1x256xf32, #tpu.memory_space<vmem>>, %arg7: memref<2048x256xf32, #tpu.memory_space<vmem>>, %arg8: memref<128x256xf32, #tpu.memory_space<vmem>>, %arg9: memref<1x256xf32, #tpu.memory_space<vmem>>, %arg10: memref<1x256xf32, #tpu.memory_space<vmem>>) attributes {dimension_semantics = [#tpu.dimension_semantics<arbitrary>], iteration_bounds = array<i64: 16>, scalar_prefetch = 0 : i64, scratch_operands = 0 : i64, tpu.core_type = #tpu.core_type<tc>, window_params = [{pipeline_mode = #tpu.pipeline_mode<synchronous>, transform_indices = @transform_0, window_bounds = array<i64: 256, 256>}, {pipeline_mode = #tpu.pipeline_mode<synchronous>, transform_indices = @transform_1, window_bounds = array<i64: 1, 256>}, {pipeline_mode = #tpu.pipeline_mode<synchronous>, transform_indices = @transform_2, window_bounds = array<i64: 1, 256>}, {pipeline_mode = #tpu.pipeline_mode<synchronous>, transform_indices = @transform_3, window_bounds = array<i64: 1, 256>}, {pipeline_mode = #tpu.pipeline_mode<synchronous>, transform_indices = @transform_4, window_bounds = array<i64: 1, 256>}, {pipeline_mode = #tpu.pipeline_mode<synchronous>, transform_indices = @transform_5, window_bounds = array<i64: 1, 256>}, {transform_indices = @transform_6, window_bounds = array<i64: 2048, 256>}, {transform_indices = @transform_7, window_bounds = array<i64: 128, 256>}, {pipeline_mode = #tpu.pipeline_mode<synchronous>, transform_indices = @transform_8, window_bounds = array<i64: 1, 256>}, {pipeline_mode = #tpu.pipeline_mode<synchronous>, transform_indices = @transform_9, window_bounds = array<i64: 1, 256>}]} {
    %get3A = arith.constant 0 : index
    %get3A_0 = arith.constant 0 : index
    %get3A_1 = vector.load %arg5[%get3A, %get3A_0] : memref<1x256xf32, #tpu.memory_space<vmem>>, vector<1x256xf32>
    %div3A = arith.constant 3.276800e+04 : f32
    %div3A_2 = vector.broadcast %div3A : f32 to vector<1x256xf32>
    %div3A_3 = arith.divf %get3A_1, %div3A_2 : vector<1x256xf32>
    %get3A_4 = arith.constant 0 : index
    %get3A_5 = arith.constant 0 : index
    %get3A_6 = vector.load %arg6[%get3A_4, %get3A_5] : memref<1x256xf32, #tpu.memory_space<vmem>>, vector<1x256xf32>
    %div3A_7 = arith.constant 3.276800e+04 : f32
    %div3A_8 = vector.broadcast %div3A_7 : f32 to vector<1x256xf32>
    %div3A_9 = arith.divf %get3A_6, %div3A_8 : vector<1x256xf32>
    %mul3A = arith.mulf %div3A_3, %div3A_3 : vector<1x256xf32>
    %sub3A = arith.subf %div3A_9, %mul3A : vector<1x256xf32>
    %add3A = arith.constant 9.99999974E-6 : f32
    %add3A_10 = vector.broadcast %add3A : f32 to vector<1x256xf32>
    %add3A_11 = arith.addf %sub3A, %add3A_10 : vector<1x256xf32>
    %rsqrt3A = math.rsqrt %add3A_11 : vector<1x256xf32>
    %get3A_12 = arith.constant 0 : index
    %get3A_13 = arith.constant 0 : index
    %get3A_14 = vector.load %arg7[%get3A_12, %get3A_13] : memref<2048x256xf32, #tpu.memory_space<vmem>>, vector<2048x256xf32>
    %sub3A_15 = vector.broadcast %div3A_3 : vector<1x256xf32> to vector<2048x256xf32>
    %sub3A_16 = arith.subf %get3A_14, %sub3A_15 : vector<2048x256xf32>
    %mul3A_17 = vector.broadcast %rsqrt3A : vector<1x256xf32> to vector<2048x256xf32>
    %mul3A_18 = arith.mulf %sub3A_16, %mul3A_17 : vector<2048x256xf32>
    %get3A_19 = arith.constant 0 : index
    %get3A_20 = arith.constant 0 : index
    %get3A_21 = vector.load %arg3[%get3A_19, %get3A_20] : memref<1x256xf32, #tpu.memory_space<vmem>>, vector<1x256xf32>
    %mul3A_22 = vector.broadcast %get3A_21 : vector<1x256xf32> to vector<2048x256xf32>
    %mul3A_23 = arith.mulf %mul3A_18, %mul3A_22 : vector<2048x256xf32>
    %get3A_24 = arith.constant 0 : index
    %get3A_25 = arith.constant 0 : index
    %get3A_26 = vector.load %arg4[%get3A_24, %get3A_25] : memref<1x256xf32, #tpu.memory_space<vmem>>, vector<1x256xf32>
    %add3A_27 = vector.broadcast %get3A_26 : vector<1x256xf32> to vector<2048x256xf32>
    %add3A_28 = arith.addf %mul3A_23, %add3A_27 : vector<2048x256xf32>
    %max3A = arith.constant 0.000000e+00 : f32
    %max3A_29 = vector.broadcast %max3A : f32 to vector<2048x256xf32>
    %max3A_30 = arith.maximumf %add3A_28, %max3A_29 : vector<2048x256xf32>
    %get3A_31 = arith.constant 0 : index
    %get3A_32 = arith.constant 0 : index
    %get3A_33 = vector.load %arg1[%get3A_31, %get3A_32] : memref<256x256xf32, #tpu.memory_space<vmem>>, vector<256x256xf32>
    %dot_general3A = arith.constant dense<0.000000e+00> : vector<2048x256xf32>
    %dot_general3A_34 = tpu.matmul %max3A_30, %get3A_33, %dot_general3A {dimension_numbers = #tpu.dot_dimension_numbers<[1], [1], [0], [0], [0, 0, 1, 0], [], []>, transpose_lhs_hint = false} : vector<2048x256xf32>, vector<256x256xf32>, vector<2048x256xf32> -> vector<2048x256xf32>
    %get3A_35 = arith.constant 0 : index
    %get3A_36 = arith.constant 0 : index
    %get3A_37 = vector.load %arg2[%get3A_35, %get3A_36] : memref<1x256xf32, #tpu.memory_space<vmem>>, vector<1x256xf32>
    %add3A_38 = vector.broadcast %get3A_37 : vector<1x256xf32> to vector<2048x256xf32>
    %add3A_39 = arith.addf %dot_general3A_34, %add3A_38 : vector<2048x256xf32>
    %eq3A = arith.constant 0 : i32
    %eq3A_40 = arith.cmpi eq, %arg0, %eq3A : i32
    %convert_element_type3A = arith.extui %eq3A_40 : i1 to i32
    %cond3A = arith.constant 0 : i32
    %cond3A_41 = arith.cmpi ne, %convert_element_type3A, %cond3A : i32
    scf.if %cond3A_41 {
      %broadcast_in_dim3A_64 = arith.constant 0.000000e+00 : f32
      %broadcast_in_dim3A_65 = vector.broadcast %broadcast_in_dim3A_64 : f32 to vector<1x256xf32>
      %swap3A_66 = arith.constant 0 : index
      %swap3A_67 = arith.constant 0 : index
      %swap3A_68 = vector.load %arg9[%swap3A_66, %swap3A_67] : memref<1x256xf32, #tpu.memory_space<vmem>>, vector<1x256xf32>
      tpu.vector_store %arg9[%swap3A_66, %swap3A_67], %broadcast_in_dim3A_65 {strides = array<i32>} : memref<1x256xf32, #tpu.memory_space<vmem>>, vector<1x256xf32>,
      %broadcast_in_dim3A_69 = arith.constant 0.000000e+00 : f32
      %broadcast_in_dim3A_70 = vector.broadcast %broadcast_in_dim3A_69 : f32 to vector<1x256xf32>
      %swap3A_71 = arith.constant 0 : index
      %swap3A_72 = arith.constant 0 : index
      %swap3A_73 = vector.load %arg10[%swap3A_71, %swap3A_72] : memref<1x256xf32, #tpu.memory_space<vmem>>, vector<1x256xf32>
      tpu.vector_store %arg10[%swap3A_71, %swap3A_72], %broadcast_in_dim3A_70 {strides = array<i32>} : memref<1x256xf32, #tpu.memory_space<vmem>>, vector<1x256xf32>,
    } else {
    }
    %get3A_42 = arith.constant 0 : index
    %get3A_43 = arith.constant 0 : index
    %get3A_44 = vector.load %arg9[%get3A_42, %get3A_43] : memref<1x256xf32, #tpu.memory_space<vmem>>, vector<1x256xf32>
    %reduce_sum3A = arith.constant dense<0.000000e+00> : vector<256xf32>
    %reduce_sum3A_45 = vector.multi_reduction <add>, %add3A_39, %reduce_sum3A [0] : vector<2048x256xf32> to vector<256xf32>
    %broadcast_in_dim3A = vector.shape_cast %reduce_sum3A_45 : vector<256xf32> to vector<1x256xf32>
    %add3A_46 = arith.addf %get3A_44, %broadcast_in_dim3A : vector<1x256xf32>
    %swap3A = arith.constant 0 : index
    %swap3A_47 = arith.constant 0 : index
    %swap3A_48 = vector.load %arg9[%swap3A, %swap3A_47] : memref<1x256xf32, #tpu.memory_space<vmem>>, vector<1x256xf32>
    tpu.vector_store %arg9[%swap3A, %swap3A_47], %add3A_46 {strides = array<i32>} : memref<1x256xf32, #tpu.memory_space<vmem>>, vector<1x256xf32>,
    %get3A_49 = arith.constant 0 : index
    %get3A_50 = arith.constant 0 : index
    %get3A_51 = vector.load %arg10[%get3A_49, %get3A_50] : memref<1x256xf32, #tpu.memory_space<vmem>>, vector<1x256xf32>
    %mul3A_52 = arith.mulf %add3A_39, %add3A_39 : vector<2048x256xf32>
    %reduce_sum3A_53 = arith.constant dense<0.000000e+00> : vector<256xf32>
    %reduce_sum3A_54 = vector.multi_reduction <add>, %mul3A_52, %reduce_sum3A_53 [0] : vector<2048x256xf32> to vector<256xf32>
    %broadcast_in_dim3A_55 = vector.shape_cast %reduce_sum3A_54 : vector<256xf32> to vector<1x256xf32>
    %add3A_56 = arith.addf %get3A_51, %broadcast_in_dim3A_55 : vector<1x256xf32>
    %swap3A_57 = arith.constant 0 : index
    %swap3A_58 = arith.constant 0 : index
    %swap3A_59 = vector.load %arg10[%swap3A_57, %swap3A_58] : memref<1x256xf32, #tpu.memory_space<vmem>>, vector<1x256xf32>
    tpu.vector_store %arg10[%swap3A_57, %swap3A_58], %add3A_56 {strides = array<i32>} : memref<1x256xf32, #tpu.memory_space<vmem>>, vector<1x256xf32>,
    %reshape3A = vector.shape_cast %add3A_39 : vector<2048x256xf32> to vector<128x16x256xf32>
    %reduce_max3A = arith.constant dense<0xFF800000> : vector<128x256xf32>
    %reduce_max3A_60 = vector.multi_reduction <maximumf>, %reshape3A, %reduce_max3A [1] : vector<128x16x256xf32> to vector<128x256xf32>
    %swap3A_61 = arith.constant 0 : index
    %swap3A_62 = arith.constant 0 : index
    %swap3A_63 = vector.load %arg8[%swap3A_61, %swap3A_62] : memref<128x256xf32, #tpu.memory_space<vmem>>, vector<128x256xf32>
    tpu.vector_store %arg8[%swap3A_61, %swap3A_62], %reduce_max3A_60 {strides = array<i32>} : memref<128x256xf32, #tpu.memory_space<vmem>>, vector<128x256xf32>,
    return
  }
  func.func @transform_0(%arg0: i32) -> (i32, i32) {
    %c0_i32 = arith.constant 0 : i32
    %c0_i32_0 = arith.constant 0 : i32
    %c0_i32_1 = arith.constant 0 : i32
    return %c0_i32, %c0_i32_0 : i32, i32
  }
  func.func @transform_1(%arg0: i32) -> (i32, i32) {
    %c0_i32 = arith.constant 0 : i32
    %c0_i32_0 = arith.constant 0 : i32
    %c0_i32_1 = arith.constant 0 : i32
    return %c0_i32, %c0_i32_0 : i32, i32
  }
  func.func @transform_2(%arg0: i32) -> (i32, i32) {
    %c0_i32 = arith.constant 0 : i32
    %c0_i32_0 = arith.constant 0 : i32
    %c0_i32_1 = arith.constant 0 : i32
    return %c0_i32, %c0_i32_0 : i32, i32
  }
  func.func @transform_3(%arg0: i32) -> (i32, i32) {
    %c0_i32 = arith.constant 0 : i32
    %c0_i32_0 = arith.constant 0 : i32
    %c0_i32_1 = arith.constant 0 : i32
    return %c0_i32, %c0_i32_0 : i32, i32
  }
  func.func @transform_4(%arg0: i32) -> (i32, i32) {
    %c0_i32 = arith.constant 0 : i32
    %c0_i32_0 = arith.constant 0 : i32
    %c0_i32_1 = arith.constant 0 : i32
    return %c0_i32, %c0_i32_0 : i32, i32
  }
  func.func @transform_5(%arg0: i32) -> (i32, i32) {
    %c0_i32 = arith.constant 0 : i32
    %c0_i32_0 = arith.constant 0 : i32
    %c0_i32_1 = arith.constant 0 : i32
    return %c0_i32, %c0_i32_0 : i32, i32
  }
  func.func @transform_6(%arg0: i32) -> (i32, i32) {
    %c0_i32 = arith.constant 0 : i32
    %c0_i32_0 = arith.constant 0 : i32
    return %arg0, %c0_i32 : i32, i32
  }
  func.func @transform_7(%arg0: i32) -> (i32, i32) {
    %c0_i32 = arith.constant 0 : i32
    %c0_i32_0 = arith.constant 0 : i32
    return %arg0, %c0_i32 : i32, i32
  }
  func.func @transform_8(%arg0: i32) -> (i32, i32) {
    %c0_i32 = arith.constant 0 : i32
    %c0_i32_0 = arith.constant 0 : i32
    %c0_i32_1 = arith.constant 0 : i32
    return %c0_i32, %c0_i32_0 : i32, i32
  }
  func.func @transform_9(%arg0: i32) -> (i32, i32) {
    %c0_i32 = arith.constant 0 : i32
    %c0_i32_0 = arith.constant 0 : i32
    %c0_i32_1 = arith.constant 0 : i32
    return %c0_i32, %c0_i32_0 : i32, i32
  }
}

module attributes {stable_mosaic.version = 14 : i64} {
  func.func @_final_bn_pm_kernel(%arg0: i32, %arg1: memref<1x256xf32, #tpu.memory_space<vmem>>, %arg2: memref<1x256xf32, #tpu.memory_space<vmem>>, %arg3: memref<1x256xf32, #tpu.memory_space<vmem>>, %arg4: memref<1x256xf32, #tpu.memory_space<vmem>>, %arg5: memref<2048x256xf32, #tpu.memory_space<vmem>>, %arg6: memref<2048x256xf32, #tpu.memory_space<vmem>>) attributes {dimension_semantics = [#tpu.dimension_semantics<arbitrary>], iteration_bounds = array<i64: 1>, scalar_prefetch = 0 : i64, scratch_operands = 0 : i64, tpu.core_type = #tpu.core_type<tc>, window_params = [{pipeline_mode = #tpu.pipeline_mode<synchronous>, transform_indices = @transform_0, window_bounds = array<i64: 1, 256>}, {pipeline_mode = #tpu.pipeline_mode<synchronous>, transform_indices = @transform_1, window_bounds = array<i64: 1, 256>}, {pipeline_mode = #tpu.pipeline_mode<synchronous>, transform_indices = @transform_2, window_bounds = array<i64: 1, 256>}, {pipeline_mode = #tpu.pipeline_mode<synchronous>, transform_indices = @transform_3, window_bounds = array<i64: 1, 256>}, {pipeline_mode = #tpu.pipeline_mode<synchronous>, transform_indices = @transform_4, window_bounds = array<i64: 2048, 256>}, {pipeline_mode = #tpu.pipeline_mode<synchronous>, transform_indices = @transform_5, window_bounds = array<i64: 2048, 256>}]} {
    %get3A = arith.constant 0 : index
    %get3A_0 = arith.constant 0 : index
    %get3A_1 = vector.load %arg3[%get3A, %get3A_0] : memref<1x256xf32, #tpu.memory_space<vmem>>, vector<1x256xf32>
    %div3A = arith.constant 3.276800e+04 : f32
    %div3A_2 = vector.broadcast %div3A : f32 to vector<1x256xf32>
    %div3A_3 = arith.divf %get3A_1, %div3A_2 : vector<1x256xf32>
    %get3A_4 = arith.constant 0 : index
    %get3A_5 = arith.constant 0 : index
    %get3A_6 = vector.load %arg4[%get3A_4, %get3A_5] : memref<1x256xf32, #tpu.memory_space<vmem>>, vector<1x256xf32>
    %div3A_7 = arith.constant 3.276800e+04 : f32
    %div3A_8 = vector.broadcast %div3A_7 : f32 to vector<1x256xf32>
    %div3A_9 = arith.divf %get3A_6, %div3A_8 : vector<1x256xf32>
    %mul3A = arith.mulf %div3A_3, %div3A_3 : vector<1x256xf32>
    %sub3A = arith.subf %div3A_9, %mul3A : vector<1x256xf32>
    %add3A = arith.constant 9.99999974E-6 : f32
    %add3A_10 = vector.broadcast %add3A : f32 to vector<1x256xf32>
    %add3A_11 = arith.addf %sub3A, %add3A_10 : vector<1x256xf32>
    %rsqrt3A = math.rsqrt %add3A_11 : vector<1x256xf32>
    %get3A_12 = arith.constant 0 : index
    %get3A_13 = arith.constant 0 : index
    %get3A_14 = vector.load %arg5[%get3A_12, %get3A_13] : memref<2048x256xf32, #tpu.memory_space<vmem>>, vector<2048x256xf32>
    %sub3A_15 = vector.broadcast %div3A_3 : vector<1x256xf32> to vector<2048x256xf32>
    %sub3A_16 = arith.subf %get3A_14, %sub3A_15 : vector<2048x256xf32>
    %mul3A_17 = vector.broadcast %rsqrt3A : vector<1x256xf32> to vector<2048x256xf32>
    %mul3A_18 = arith.mulf %sub3A_16, %mul3A_17 : vector<2048x256xf32>
    %get3A_19 = arith.constant 0 : index
    %get3A_20 = arith.constant 0 : index
    %get3A_21 = vector.load %arg1[%get3A_19, %get3A_20] : memref<1x256xf32, #tpu.memory_space<vmem>>, vector<1x256xf32>
    %mul3A_22 = vector.broadcast %get3A_21 : vector<1x256xf32> to vector<2048x256xf32>
    %mul3A_23 = arith.mulf %mul3A_18, %mul3A_22 : vector<2048x256xf32>
    %get3A_24 = arith.constant 0 : index
    %get3A_25 = arith.constant 0 : index
    %get3A_26 = vector.load %arg2[%get3A_24, %get3A_25] : memref<1x256xf32, #tpu.memory_space<vmem>>, vector<1x256xf32>
    %add3A_27 = vector.broadcast %get3A_26 : vector<1x256xf32> to vector<2048x256xf32>
    %add3A_28 = arith.addf %mul3A_23, %add3A_27 : vector<2048x256xf32>
    %max3A = arith.constant 0.000000e+00 : f32
    %max3A_29 = vector.broadcast %max3A : f32 to vector<2048x256xf32>
    %max3A_30 = arith.maximumf %add3A_28, %max3A_29 : vector<2048x256xf32>
    %swap3A = arith.constant 0 : index
    %swap3A_31 = arith.constant 0 : index
    %swap3A_32 = vector.load %arg6[%swap3A, %swap3A_31] : memref<2048x256xf32, #tpu.memory_space<vmem>>, vector<2048x256xf32>
    tpu.vector_store %arg6[%swap3A, %swap3A_31], %max3A_30 {strides = array<i32>} : memref<2048x256xf32, #tpu.memory_space<vmem>>, vector<2048x256xf32>,
    return
  }
  func.func @transform_0(%arg0: i32) -> (i32, i32) {
    %c0_i32 = arith.constant 0 : i32
    %c0_i32_0 = arith.constant 0 : i32
    %c0_i32_1 = arith.constant 0 : i32
    return %c0_i32, %c0_i32_0 : i32, i32
  }
  func.func @transform_1(%arg0: i32) -> (i32, i32) {
    %c0_i32 = arith.constant 0 : i32
    %c0_i32_0 = arith.constant 0 : i32
    %c0_i32_1 = arith.constant 0 : i32
    return %c0_i32, %c0_i32_0 : i32, i32
  }
  func.func @transform_2(%arg0: i32) -> (i32, i32) {
    %c0_i32 = arith.constant 0 : i32
    %c0_i32_0 = arith.constant 0 : i32
    %c0_i32_1 = arith.constant 0 : i32
    return %c0_i32, %c0_i32_0 : i32, i32
  }
  func.func @transform_3(%arg0: i32) -> (i32, i32) {
    %c0_i32 = arith.constant 0 : i32
    %c0_i32_0 = arith.constant 0 : i32
    %c0_i32_1 = arith.constant 0 : i32
    return %c0_i32, %c0_i32_0 : i32, i32
  }
  func.func @transform_4(%arg0: i32) -> (i32, i32) {
    %c0_i32 = arith.constant 0 : i32
    %c0_i32_0 = arith.constant 0 : i32
    %c0_i32_1 = arith.constant 0 : i32
    return %c0_i32, %c0_i32_0 : i32, i32
  }
  func.func @transform_5(%arg0: i32) -> (i32, i32) {
    %c0_i32 = arith.constant 0 : i32
    %c0_i32_0 = arith.constant 0 : i32
    %c0_i32_1 = arith.constant 0 : i32
    return %c0_i32, %c0_i32_0 : i32, i32
  }
}

</mosaic_0001>

<sc_bundles>
// kernel: kernel.14.cloned.1.call-start
scs
__scs_entry_jumppad:
0x0: {  	(pc) =	sbr.rel $0x88, $3  }
0x1: {  	(tag) =	ssettag $0x0;
	lr =	simm.s32 $0x1  }
0x2: {  	[smem:$0x3F89] =	sst lr;
	_ =	strace $0xD0000000  }
0x3: {  	_ = 	snop  }
0x4: {  	_ = 	snop  }
0x5: {  	_ = 	snop  }
0x6: {  	_ = 	snop  }
0x7: {  	_ = 	snop  }
__scs_overlays_trampoline_lowered:
0x8: {  	[smem:$0x3F98] =	sst s0  }
0x9: {  	[smem:$0x3F99] =	sst s1  }
0xa: {  	[smem:$0x3F9A] =	sst s2  }
0xb: {  	[smem:$0x3F9B] =	sst s3  }
0xc: {  	[smem:$0x3F9C] =	sst s4  }
0xd: {  	[smem:$0x3F9D] =	sst s5  }
0xe: {  	[smem:$0x3F9E] =	sst s6  }
0xf: {  	[smem:$0x3F9F] =	sst s7  }
0x10: {  	[smem:$0x3FA0] =	sst s8  }
0x11: {  	[smem:$0x3FA1] =	sst s9;
	s0 =	simm.s32 @!p0 $0x0  }
0x12: {  	s1 =	sld [smem:$0x3F87];
	s0 =	simm.s32 @p0 $0x1  }
0x13: {  	[smem:$0x3FA2] =	sst s0;
	s0 =	simm.s32 @!p1 $0x0  }
0x14: {  	s2 =	sld [smem:$0x3F86];
	s0 =	simm.s32 @p1 $0x1  }
0x15: {  	[smem:$0x3FA3] =	sst s0;
	s0 =	simm.s32 @!p2 $0x0  }
0x16: {  	s3 =	sld [smem:$0x3FDB];
	s0 =	simm.s32 @p2 $0x1  }
0x17: {  	s4 =	simm.s32 $0x1BF5;
	[smem:$0x3FA5] =	sst s0  }
0x18: {  	s0 =	sld [smem:$0x3F88];
	_ =	swait.ge [sflag:s4], $0x0  }
0x19: {  	s7 =	sld [smem:$0x3F89]  }
0x1a: {  	s8 =	sadd.s32 $0xFFFFE003, lr  }
0x1b: {  	s9 =	sadd.s32 $0xFFFFFEF7, lr;
	s5 =	simm.s32 $0xFFFFFFFF;
	p2 =	slt.u32 s8, $0xFFFFF086  }
0x1c: {  	p1 =	slt.u32 s9, $0xF7A;
	s5 =	simm.s32 @!p2 $0x0  }
0x1d: {  	s5 =	simm.s32 @p1 $0x1;
	p0 =	seq.s32 s7, s2  }
0x1e: {  	s7 =	smul.u32 @!p0 $0xF7A, s2;
	p2 =	seq.s32 @!p0 s5, $0x0  }
0x1f: {  	s9 =	smul.u32 $0xF7A, s1;
	s8 =	simm.s32 @!p0 $0x1BF5;
	p2 =	por !p2, p0  }
0x20: {  	[sflag:s8] =	ssyncset.s32 @!p0 $0xFFFFF086;
	s6 =	sadd.s32 @!p0 s3, s7;
	s7 =	simm.s32 @!p0 $0x108  }
0x21: {  	s3 =	sadd.s32 s3, s9;
	s6 =	sadd.s32 @!p0 $0x88, s6;
	s7 =	simm.s32 @p2 $0x1082  }
0x22: {  	[simem:s7], [sflag:s8] =	dma.local @!p0 [hbm:s6], $0xF7A  }
0x23: {  	s9 =	sor.u32 $0xD0000000, s2;
	s6 =	simm.s32 $0x108;
	_ =	swait.ge @!p0 [sflag:s8], $0x0  }
0x24: {  	s3 =	sadd.s32 $0x88, s3;
	s6 =	simm.s32 @!p1 $0x1082;
	[sflag:s4] =	ssyncset.s32 $0xFFFFF086  }
0x25: {  	[simem:s6], [sflag:s4] =	dma.local [hbm:s3], $0xF7A  }
0x26: {  	[smem:$0x3F89] =	sst s1;
	(tag) =	ssettag s2;
	_ =	strace s9  }
0x27: {  	s1 =	sld [smem:$0x3F99]  }
0x28: {  	s2 =	sld [smem:$0x3F9A]  }
0x29: {  	s4 =	sld [smem:$0x3F9C]  }
0x2a: {  	p0 =	seq.s32 s5, $0x0;
	s5 =	sld [smem:$0x3F9D]  }
0x2b: {  	s6 =	sld [smem:$0x3F9E]  }
0x2c: {  	s7 =	sld [smem:$0x3F9F]  }
0x2d: {  	s3 =	simm.s32 $0x108;
	s8 =	sld [smem:$0x3FA0]  }
0x2e: {  	s3 =	simm.s32 @!p0 $0x1082;
	s9 =	sld [smem:$0x3FA1]  }
0x2f: {  	lr =	sadd.s32 s0, s3;
	s0 =	sld [smem:$0x3F98]  }
0x30: {  	s3 =	sld [smem:$0x3F9B]  }
0x31: {  	[smem:$0x3FA4] =	sst s10  }
0x32: {  	s10 =	sld [smem:$0x3FA2];
	_ =	sdelay $0x3  }
0x33: {  	p0 =	seq.s32 s10, $0x1;
	s10 =	sld [smem:$0x3FA4];
	_ =	sdelay $0x3  }
0x34: {  	[smem:$0x3FA4] =	sst s10  }
0x35: {  	s10 =	sld [smem:$0x3FA3];
	_ =	sdelay $0x3  }
0x36: {  	p1 =	seq.s32 s10, $0x1;
	s10 =	sld [smem:$0x3FA4];
	_ =	sdelay $0x3  }
0x37: {  	[smem:$0x3FA4] =	sst s10  }
0x38: {  	s10 =	sld [smem:$0x3FA5]  }
0x39: {  	_ = 	snop;
	(pc) =	sbr.ind lr, $3  }
0x3a: {  	_ = 	snop  }
0x3b: {  	_ = 	snop  }
0x3c: {  	p2 =	seq.s32 s10, $0x1;
	s10 =	sld [smem:$0x3FA4]  }
0x3d: {  	_ =	shalt  }
0x3e: {  	_ =	shalt  }
0x3f: {  	_ =	shalt  }
0x40: {  	_ =	shalt  }
0x41: {  	_ =	shalt  }
0x42: {  	_ =	shalt  }
0x43: {  	_ =	shalt  }
0x44: {  	_ =	shalt  }
0x45: {  	_ =	shalt  }
0x46: {  	_ =	shalt  }
0x47: {  	_ =	shalt  }
0x48: {  	_ =	shalt  }
0x49: {  	_ =	shalt  }
0x4a: {  	_ =	shalt  }
0x4b: {  	_ =	shalt  }
0x4c: {  	_ =	shalt  }
0x4d: {  	_ =	shalt  }
0x4e: {  	_ =	shalt  }
0x4f: {  	_ =	shalt  }
0x50: {  	_ =	shalt  }
0x51: {  	_ =	shalt  }
0x52: {  	_ =	shalt  }
0x53: {  	_ =	shalt  }
0x54: {  	_ =	shalt  }
0x55: {  	_ =	shalt  }
0x56: {  	_ =	shalt  }
0x57: {  	_ =	shalt  }
0x58: {  	_ =	shalt  }
0x59: {  	_ =	shalt  }
0x5a: {  	_ =	shalt  }
0x5b: {  	_ =	shalt  }
0x5c: {  	_ =	shalt  }
0x5d: {  	_ =	shalt  }
0x5e: {  	_ =	shalt  }
0x5f: {  	_ =	shalt  }
0x60: {  	_ =	shalt  }
0x61: {  	_ =	shalt  }
0x62: {  	_ =	shalt  }
0x63: {  	_ =	shalt  }
0x64: {  	_ =	shalt  }
0x65: {  	_ =	shalt  }
0x66: {  	_ =	shalt  }
0x67: {  	_ =	shalt  }
0x68: {  	_ =	shalt  }
0x69: {  	_ =	shalt  }
0x6a: {  	_ =	shalt  }
0x6b: {  	_ =	shalt  }
0x6c: {  	_ =	shalt  }
0x6d: {  	_ =	shalt  }
0x6e: {  	_ =	shalt  }
0x6f: {  	_ =	shalt  }
0x70: {  	_ =	shalt  }
0x71: {  	_ =	shalt  }
0x72: {  	_ =	shalt  }
0x73: {  	_ =	shalt  }
0x74: {  	_ =	shalt  }
0x75: {  	_ =	shalt  }
0x76: {  	_ =	shalt  }
0x77: {  	_ =	shalt  }
0x78: {  	_ =	shalt  }
0x79: {  	_ =	shalt  }
0x7a: {  	_ =	shalt  }
0x7b: {  	_ =	shalt  }
0x7c: {  	_ =	shalt  }
0x7d: {  	_ =	shalt  }
0x7e: {  	_ =	shalt  }
0x7f: {  	_ =	shalt  }
0x80: {  	_ =	shalt  }
0x81: {  	_ =	shalt  }
0x82: {  	_ =	shalt  }
0x83: {  	_ =	shalt  }
0x84: {  	_ =	shalt  }
0x85: {  	_ =	shalt  }
0x86: {  	_ =	shalt  }
0x87: {  	_ =	shalt  }
.Lfunc_end0:
.L_simem_size_0:
called_computation_lowered:
.L_overlay_start_0:
0x88: {  	s2 =	sld [smem:$0x3FD9]  }
0x89: {  	s3 =	sld [smem:$0x3FFE];
	_ =	sdelay $0x1  }
0x8a: {  	s1 =	srdreg.scid  }
0x8b: {  	s0 =	sand.u32 $0x1, s1  }
0x8c: {  	s14 =	sshll.u32 s0, $0xA;
	s2 =	sadd.s32 s3, s2  }
0x8d: {  	s2 =	sadd.s32 s2, s14  }
0x8e: {  	[smem:$0x3FB0] =	sst s2  }
0x8f: {  	_ = 	snop  }
0x90: {  	s2 =	sld [smem:$0x3FD0];
	_ =	sdelay $0x2  }
0x91: {  	s15 =	simm.s32 $0xA;
	s4 =	simm.s32 $0x10  }
0x92: {  	[smem:s4], [sflag:s15] =	dma.local [hbm:s2], $0x1  }
0x93: {  	_ =	swait.eq [sflag:s15], $0x1  }
0x94: {  	[sflag:s15] =	ssyncset.done $0x0  }
0x95: {  	[sflag:s15] =	ssyncadd.s32 $0xFFFFFFFF  }
0x96: {  	s16 =	sld [smem:$0x11];
	(tm) =	ssettm $0x1  }
0x97: {  	s17 =	sld [smem:$0x3FFB];
	_ =	sdelay $0x3  }
0x98: {  	_ =	strace s17  }
0x99: {  	s3 =	sld [smem:$0x3FFC];
	_ =	sdelay $0x3  }
0x9a: {  	_ =	strace s3  }
0x9b: {  	s3 =	sld [smem:$0x3FFD];
	_ =	sdelay $0x3  }
0x9c: {  	_ =	strace s3  }
0x9d: {  	_ =	strace $0x8FFFFFFF  }
0x9e: {  	s18 =	sld [smem:$0x3FDB];
	_ =	sdelay $0x1  }
0x9f: {  	s19 =	simm.s32 $_scs_section_size  }
0xa0: {  	s5 =	simm.s32 $_size__tile_overlayer_lowered;
	s6 =	simm.s32 $_tile_overlayer_lowered  }
0xa1: {  	s22 =	simm.s32 $0x1BFF;
	s21 =	sshll.u32 s6, $0x1;
	s3 =	sadd.s32 s19, s18  }
0xa2: {  	s7 =	simm.s32 $0x0;
	s20 =	sshll.u32 s5, $0x1;
	s5 =	sadd.s32 s21, s3  }
0xa3: {  	[timem:s7], [sflag:s22] =	dma.local [hbm:s5], s20  }
0xa4: {  	_ =	swait.ge [sflag:s22], s20  }
0xa5: {  	s4 =	ssub.s32 $0x0, s20;
	[sflag:s22] =	ssyncset.done $0x0  }
0xa6: {  	[sflag:s22] =	ssyncadd.s32 s4;
	_ =	sdelay $0x1  }
0xa7: {  	s23 =	simm.s32 $0x1B8B  }
0xa8: {  	_ =	swait.ge [sflag:s23], $0x1  }
0xa9: {  	[sflag:s23] =	ssyncset.done $0x0  }
0xaa: {  	s25 =	simm.s32 $0x1B8E;
	s24 =	sld [smem:$0x3FFE];
	[sflag:s23] =	ssyncadd.s32 $0xFFFFFFFF  }
0xab: {  	s26 =	simm.s32 $execute0_lowered;
	[smem:$0x3FD2] =	sst s25  }
0xac: {  	s5 =	sshll.u32 s26, $0x1;
	_ =	strace $0x80000046;
	[dreg:$0x1] =	wrdreg $0xFFFFFFFF  }
0xad: {  	s28 =	simm.s32 $_size_execute0_lowered;
	s3 =	sadd.s32 s3, s5;
	[dreg:$0x0] =	wrdreg $0x0  }
0xae: {  	s5 =	sshll.u32 s28, $0x1;
	[dreg:$0x2] =	wrdreg s3  }
0xaf: {  	[dreg:$0x3] =	wrdreg s5  }
0xb0: {  	[dreg:$0x4] =	wrdreg $0xC0  }
0xb1: {  	_ =	task [dreg:s7], $0x5FFFF  }
0xb2: {  	[dreg:$0x1] =	wrdreg $0xFFFFFFFF  }
0xb3: {  	[dreg:$0x0] =	wrdreg $0x60  }
0xb4: {  	[dreg:$0x2] =	wrdreg s24  }
0xb5: {  	[dreg:$0x3] =	wrdreg s16  }
0xb6: {  	[dreg:$0x4] =	wrdreg $0x9  }
0xb7: {  	_ =	task.clear_ibuf [dreg:s7], $0x5FFFF;
	_ =	strace $0x90000046  }
0xb8: {  	s29 =	simm.s32 $0x9;
	_ =	strace $0x80000048  }
0xb9: {  	_ =	swait.ge [sflag:s29], $0x1  }
0xba: {  	[sflag:s29] =	ssyncadd.s32 $0xFFFFFFFF  }
0xbb: {  	_ =	strace $0x90000048  }
0xbc: {  	_ =	sfence  }
0xbd: {  	s30 =	sld [smem:$0x0];
	_ =	sdelay $0x2  }
0xbe: {  	s31 =	sshll.u32 s1, $0xD;
	s1 =	sshrl.u32 s1, $0x2  }
0xbf: {  	s3 =	sand.u32 $0x4000, s31;
	s1 =	sadd.s32 s1, s30  }
0xc0: {  	s0 =	sor.u32 s3, s0;
	s1 =	sshll.u32 s1, $0x11  }
0xc1: {  	s0 =	sor.u32 s1, s0  }
0xc2: {  	s0 =	sadd.s32 $0x8F2B, s0  }
0xc3: {  	[sflag:s0] =	ssyncadd.remote.s32 $0x1  }
0xc4: {  	_ =	sfence.sel $0xFFFF  }
0xc5: {  	[dreg:$0x0] =	wrdreg $0xFFFFFFFF;
	(pc) =	sbr.abs _section_cstart, $3  }
0xc6: {  	[dreg:$0x1] =	wrdreg $0xFFFFFFFF  }
0xc7: {  	_ =	task.clear_ibuf [dreg:s7], $0x2FFFF;
	_ =	strace $0x9FFFFFFF  }
0xc8: {  	(tm) =	ssettm $0x7FFFFFFF  }
0xc9: {  	_ =	shalt  }
tec
execute0_lowered:
.L_overlay_start_1:
0x0: {  	(tag) =	ssettag $0x1  }
0x1: {  	s0 =	rddreg [dreg:$0x0]  }
0x2: {  	s1 =	rddreg [dreg:$0x1]  }
0x3: {  	s3 =	srdreg.scid;
	s2 =	simm.s32 $0x0;
	s5 =	stileid.u32  }
0x4: {  	s28 =	simm.s32 $0x100;
	s12 =	simm.s32 $0x1;
	s4 =	sand.u32 $0x1, s3  }
0x5: {  	[smem:$0x7FF] =	sst s2;
	s5 =	sshll.u32 s5, $0xB;
	s3 =	sadd.s32 $0x1800, s0  }
0x6: {  	s0 =	sadd.s32 $0x81800, s0;
	s6 =	sshll.u32 s4, $0xA;
	s4 =	ssub.s32 $0x2, s4  }
0x7: {  	_ =	strace $0x80000047;
	s5 =	sor.u32 s6, s5;
	s26 =	sshrl.u32 s4, $0x1  }
0x8: {  	s6 =	sshrl.u32 s5, $0x3;
	s7 =	sshll.u32 s5, $0x5;
	s8 =	sor.u32 $0x100, s5  }
0x9: {  	s25 =	sor.u32 $0x200, s5;
	s5 =	sor.u32 $0x300, s5;
	s6 =	sadd.s32 s1, s6  }
0xa: {  	s20 =	sadd.s32 s0, s7;
	s21 =	sshrl.u32 s8, $0x3;
	[dreg:$0x3] =	wrdreg s6  }
0xb: {  	s23 =	sshll.u32 s8, $0x5;
	[dreg:$0x4] =	wrdreg s20;
	s22 =	sadd.s32 s1, s21  }
0xc: {  	s29 =	sshrl.u32 s25, $0x3;
	s24 =	sadd.s32 s0, s23;
	[dreg:$0x5] =	wrdreg s22  }
0xd: {  	s7 =	sshll.u32 s25, $0x5;
	s6 =	sadd.s32 s1, s29;
	[dreg:$0x6] =	wrdreg s24  }
0xe: {  	s31 =	sshrl.u32 s5, $0x3;
	s30 =	sadd.s32 s0, s7;
	[dreg:$0x7] =	wrdreg s6  }
0xf: {  	v2 =	vlaneseq.u32;
	s5 =	sshll.u32 s5, $0x5;
	s1 =	sadd.s32 s1, s31;
	[dreg:$0x8] =	wrdreg s30  }
0x10: {  	vm0 =	vmmov $0xffff;
	v1 =	vshrl.u32 v2, $0x3;
	s4 =	ssub.s32 s4, s26;
	s0 =	sadd.s32 s0, s5;
	[dreg:$0x9] =	wrdreg s1  }
0x11: {  	v0 =	vand.u32 $0x7, v2;
	v2 =	vor.u32 $0x8, v2;
	v1 =	vmul.u32 $0x8, v1;
	s4 =	smax.u32 s4, $0x1;
	s5 =	simm.s32 $0x2;
	[dreg:$0xa] =	wrdreg s0  }
.LBB2_1:
0x12: {  	s13 =	rddreg [dreg:$0x3]  }
0x13: {  	[tilespmem:s2], [sflag:$0x2] =	stream.linear.gather [hbm4b:s13+s2], $0x100, $0x38;
	[tilespmem:$0x10100] =	vst v63  }
0x14: {  	_ =	swait.ge [sflag:s5], $0x100  }
0x15: {  	[sflag:s5] =	ssyncset.done $0x0  }
0x16: {  	[sflag:s5] =	ssyncadd.s32 $0xFFFFFF00  }
0x17: {  	v3 =	vld [tilespmem:$0x0];
	_ =	sdelay $0x4  }
0x18: {  	v4 =	vshll.u32 v3, $0x1  }
0x19: {  	v3 =	vand.u32 $0x7, v3;
	v4 =	vand.u32 $0xFFFFFFF0, v4  }
0x1a: {  	v3 =	vor.u32 v3, v4  }
0x1b: {  	v4 =	vperm.xlane v3, v0;
	_ =	sdelay $0x1  }
0x1c: {  	v3 =	vperm.xlane v3, v2;
	v4 =	vadd.s32 v1, v4;
	_ =	sdelay $0x1  }
0x1d: {  	v3 =	vadd.s32 v1, v3;
	_ =	sdelay $0x2  }
0x1e: {  	[tilespmem:s28], [sflag:$0x1] =	stream.indirect_vreg.gather [hbm4b:s3+s2], $0x80, v4, vm0, $0xb8;
	[tilespmem:$0x10100] =	vst v63  }
0x1f: {  	s0 =	simm.s32 $0x900  }
0x20: {  	[tilespmem:s0], [sflag:$0x1] =	stream.indirect_vreg.gather [hbm4b:s3+s2], $0x80, v3, vm0, $0xb8;
	[tilespmem:$0x10100] =	vst v63  }
0x21: {  	v3 =	vld [tilespmem:$0x10];
	_ =	sdelay $0x4  }
0x22: {  	v57 =	vshll.u32 v3, $0x1  }
0x23: {  	v3 =	vand.u32 $0x7, v3;
	v4 =	vand.u32 $0xFFFFFFF0, v57  }
0x24: {  	v3 =	vor.u32 v3, v4  }
0x25: {  	v4 =	vperm.xlane v3, v0;
	_ =	sdelay $0x1  }
0x26: {  	v3 =	vperm.xlane v3, v2;
	v4 =	vadd.s32 v1, v4;
	_ =	sdelay $0x1  }
0x27: {  	v3 =	vadd.s32 v1, v3;
	_ =	sdelay $0x1  }
0x28: {  	s7 =	simm.s32 $0x1100  }
0x29: {  	[tilespmem:s7], [sflag:$0x1] =	stream.indirect_vreg.gather [hbm4b:s3+s2], $0x80, v4, vm0, $0xb8;
	[tilespmem:$0x10100] =	vst v63  }
0x2a: {  	s8 =	simm.s32 $0x1900  }
0x2b: {  	[tilespmem:s8], [sflag:$0x1] =	stream.indirect_vreg.gather [hbm4b:s3+s2], $0x80, v3, vm0, $0xb8;
	[tilespmem:$0x10100] =	vst v63  }
0x2c: {  	v3 =	vld [tilespmem:$0x20];
	_ =	sdelay $0x4  }
0x2d: {  	v58 =	vshll.u32 v3, $0x1  }
0x2e: {  	v3 =	vand.u32 $0x7, v3;
	v4 =	vand.u32 $0xFFFFFFF0, v58  }
0x2f: {  	v3 =	vor.u32 v3, v4  }
0x30: {  	v4 =	vperm.xlane v3, v0;
	_ =	sdelay $0x1  }
0x31: {  	v3 =	vperm.xlane v3, v2;
	v4 =	vadd.s32 v1, v4;
	_ =	sdelay $0x1  }
0x32: {  	v3 =	vadd.s32 v1, v3;
	_ =	sdelay $0x1  }
0x33: {  	s9 =	simm.s32 $0x2100  }
0x34: {  	[tilespmem:s9], [sflag:$0x1] =	stream.indirect_vreg.gather [hbm4b:s3+s2], $0x80, v4, vm0, $0xb8;
	[tilespmem:$0x10100] =	vst v63  }
0x35: {  	s10 =	simm.s32 $0x2900  }
0x36: {  	[tilespmem:s10], [sflag:$0x1] =	stream.indirect_vreg.gather [hbm4b:s3+s2], $0x80, v3, vm0, $0xb8;
	[tilespmem:$0x10100] =	vst v63  }
0x37: {  	v3 =	vld [tilespmem:$0x30];
	_ =	sdelay $0x4  }
0x38: {  	v59 =	vshll.u32 v3, $0x1  }
0x39: {  	v3 =	vand.u32 $0x7, v3;
	v4 =	vand.u32 $0xFFFFFFF0, v59  }
0x3a: {  	v3 =	vor.u32 v3, v4  }
0x3b: {  	v4 =	vperm.xlane v3, v0;
	_ =	sdelay $0x1  }
0x3c: {  	v3 =	vperm.xlane v3, v2;
	v4 =	vadd.s32 v1, v4;
	_ =	sdelay $0x1  }
0x3d: {  	v3 =	vadd.s32 v1, v3;
	_ =	sdelay $0x1  }
0x3e: {  	s11 =	simm.s32 $0x3100  }
0x3f: {  	[tilespmem:s11], [sflag:$0x1] =	stream.indirect_vreg.gather [hbm4b:s3+s2], $0x80, v4, vm0, $0xb8;
	[tilespmem:$0x10100] =	vst v63  }
0x40: {  	s13 =	simm.s32 $0x3900  }
0x41: {  	[tilespmem:s13], [sflag:$0x1] =	stream.indirect_vreg.gather [hbm4b:s3+s2], $0x80, v3, vm0, $0xb8;
	[tilespmem:$0x10100] =	vst v63  }
0x42: {  	v3 =	vld [tilespmem:$0x40];
	_ =	sdelay $0x4  }
0x43: {  	v60 =	vshll.u32 v3, $0x1  }
0x44: {  	v3 =	vand.u32 $0x7, v3;
	v4 =	vand.u32 $0xFFFFFFF0, v60  }
0x45: {  	v3 =	vor.u32 v3, v4  }
0x46: {  	v4 =	vperm.xlane v3, v0;
	_ =	sdelay $0x1  }
0x47: {  	v3 =	vperm.xlane v3, v2;
	v4 =	vadd.s32 v1, v4;
	_ =	sdelay $0x1  }
0x48: {  	v3 =	vadd.s32 v1, v3;
	_ =	sdelay $0x1  }
0x49: {  	s14 =	simm.s32 $0x4100  }
0x4a: {  	[tilespmem:s14], [sflag:$0x1] =	stream.indirect_vreg.gather [hbm4b:s3+s2], $0x80, v4, vm0, $0xb8;
	[tilespmem:$0x10100] =	vst v63  }
0x4b: {  	s15 =	simm.s32 $0x4900  }
0x4c: {  	[tilespmem:s15], [sflag:$0x1] =	stream.indirect_vreg.gather [hbm4b:s3+s2], $0x80, v3, vm0, $0xb8;
	[tilespmem:$0x10100] =	vst v63  }
0x4d: {  	v3 =	vld [tilespmem:$0x50];
	_ =	sdelay $0x4  }
0x4e: {  	v61 =	vshll.u32 v3, $0x1  }
0x4f: {  	v3 =	vand.u32 $0x7, v3;
	v4 =	vand.u32 $0xFFFFFFF0, v61  }
0x50: {  	v3 =	vor.u32 v3, v4  }
0x51: {  	v4 =	vperm.xlane v3, v0;
	_ =	sdelay $0x1  }
0x52: {  	v3 =	vperm.xlane v3, v2;
	v4 =	vadd.s32 v1, v4;
	_ =	sdelay $0x1  }
0x53: {  	v3 =	vadd.s32 v1, v3;
	_ =	sdelay $0x1  }
0x54: {  	s16 =	simm.s32 $0x5100  }
0x55: {  	[tilespmem:s16], [sflag:$0x1] =	stream.indirect_vreg.gather [hbm4b:s3+s2], $0x80, v4, vm0, $0xb8;
	[tilespmem:$0x10100] =	vst v63  }
0x56: {  	s17 =	simm.s32 $0x5900  }
0x57: {  	[tilespmem:s17], [sflag:$0x1] =	stream.indirect_vreg.gather [hbm4b:s3+s2], $0x80, v3, vm0, $0xb8;
	[tilespmem:$0x10100] =	vst v63  }
0x58: {  	v3 =	vld [tilespmem:$0x60];
	_ =	sdelay $0x4  }
0x59: {  	v62 =	vshll.u32 v3, $0x1  }
0x5a: {  	v3 =	vand.u32 $0x7, v3;
	v4 =	vand.u32 $0xFFFFFFF0, v62  }
0x5b: {  	v3 =	vor.u32 v3, v4  }
0x5c: {  	v4 =	vperm.xlane v3, v0;
	_ =	sdelay $0x1  }
0x5d: {  	v3 =	vperm.xlane v3, v2;
	v4 =	vadd.s32 v1, v4;
	_ =	sdelay $0x1  }
0x5e: {  	v3 =	vadd.s32 v1, v3;
	_ =	sdelay $0x1  }
0x5f: {  	s18 =	simm.s32 $0x6100  }
0x60: {  	[tilespmem:s18], [sflag:$0x1] =	stream.indirect_vreg.gather [hbm4b:s3+s2], $0x80, v4, vm0, $0xb8;
	[tilespmem:$0x10100] =	vst v63  }
0x61: {  	s19 =	simm.s32 $0x6900  }
0x62: {  	[tilespmem:s19], [sflag:$0x1] =	stream.indirect_vreg.gather [hbm4b:s3+s2], $0x80, v3, vm0, $0xb8;
	[tilespmem:$0x10100] =	vst v63  }
0x63: {  	v3 =	vld [tilespmem:$0x70];
	_ =	sdelay $0x4  }
0x64: {  	v63 =	vshll.u32 v3, $0x1  }
0x65: {  	v3 =	vand.u32 $0x7, v3;
	v4 =	vand.u32 $0xFFFFFFF0, v63  }
0x66: {  	v3 =	vor.u32 v3, v4  }
0x67: {  	v4 =	vperm.xlane v3, v0;
	_ =	sdelay $0x1  }
0x68: {  	v3 =	vperm.xlane v3, v2;
	v4 =	vadd.s32 v1, v4;
	_ =	sdelay $0x1  }
0x69: {  	v3 =	vadd.s32 v1, v3;
	_ =	sdelay $0x1  }
0x6a: {  	s20 =	simm.s32 $0x7100  }
0x6b: {  	[tilespmem:s20], [sflag:$0x1] =	stream.indirect_vreg.gather [hbm4b:s3+s2], $0x80, v4, vm0, $0xb8;
	[tilespmem:$0x10100] =	vst v63  }
0x6c: {  	s21 =	simm.s32 $0x7900  }
0x6d: {  	[tilespmem:s21], [sflag:$0x1] =	stream.indirect_vreg.gather [hbm4b:s3+s2], $0x80, v3, vm0, $0xb8;
	[tilespmem:$0x10100] =	vst v63  }
0x6e: {  	v3 =	vld [tilespmem:$0x80];
	_ =	sdelay $0x4  }
0x6f: {  	v8 =	vshll.u32 v3, $0x1  }
0x70: {  	v3 =	vand.u32 $0x7, v3;
	v4 =	vand.u32 $0xFFFFFFF0, v8  }
0x71: {  	v3 =	vor.u32 v3, v4  }
0x72: {  	v4 =	vperm.xlane v3, v0;
	_ =	sdelay $0x1  }
0x73: {  	v3 =	vperm.xlane v3, v2;
	v4 =	vadd.s32 v1, v4;
	_ =	sdelay $0x1  }
0x74: {  	v3 =	vadd.s32 v1, v3;
	_ =	sdelay $0x1  }
0x75: {  	s22 =	simm.s32 $0x8100  }
0x76: {  	[tilespmem:s22], [sflag:$0x1] =	stream.indirect_vreg.gather [hbm4b:s3+s2], $0x80, v4, vm0, $0xb8;
	[tilespmem:$0x10100] =	vst v63  }
0x77: {  	s23 =	simm.s32 $0x8900  }
0x78: {  	[tilespmem:s23], [sflag:$0x1] =	stream.indirect_vreg.gather [hbm4b:s3+s2], $0x80, v3, vm0, $0xb8;
	[tilespmem:$0x10100] =	vst v63  }
0x79: {  	v3 =	vld [tilespmem:$0x90];
	_ =	sdelay $0x4  }
0x7a: {  	v9 =	vshll.u32 v3, $0x1  }
0x7b: {  	v3 =	vand.u32 $0x7, v3;
	v4 =	vand.u32 $0xFFFFFFF0, v9  }
0x7c: {  	v3 =	vor.u32 v3, v4  }
0x7d: {  	v4 =	vperm.xlane v3, v0;
	_ =	sdelay $0x1  }
0x7e: {  	v3 =	vperm.xlane v3, v2;
	v4 =	vadd.s32 v1, v4;
	_ =	sdelay $0x1  }
0x7f: {  	v3 =	vadd.s32 v1, v3;
	_ =	sdelay $0x1  }
0x80: {  	s24 =	simm.s32 $0x9100  }
0x81: {  	[tilespmem:s24], [sflag:$0x1] =	stream.indirect_vreg.gather [hbm4b:s3+s2], $0x80, v4, vm0, $0xb8;
	[tilespmem:$0x10100] =	vst v63  }
0x82: {  	s25 =	simm.s32 $0x9900  }
0x83: {  	[tilespmem:s25], [sflag:$0x1] =	stream.indirect_vreg.gather [hbm4b:s3+s2], $0x80, v3, vm0, $0xb8;
	[tilespmem:$0x10100] =	vst v63  }
0x84: {  	v3 =	vld [tilespmem:$0xA0];
	_ =	sdelay $0x4  }
0x85: {  	v10 =	vshll.u32 v3, $0x1  }
0x86: {  	v3 =	vand.u32 $0x7, v3;
	v4 =	vand.u32 $0xFFFFFFF0, v10  }
0x87: {  	v3 =	vor.u32 v3, v4  }
0x88: {  	v4 =	vperm.xlane v3, v0;
	_ =	sdelay $0x1  }
0x89: {  	v3 =	vperm.xlane v3, v2;
	v4 =	vadd.s32 v1, v4;
	_ =	sdelay $0x1  }
0x8a: {  	v3 =	vadd.s32 v1, v3;
	_ =	sdelay $0x1  }
0x8b: {  	s26 =	simm.s32 $0xA100  }
0x8c: {  	[tilespmem:s26], [sflag:$0x1] =	stream.indirect_vreg.gather [hbm4b:s3+s2], $0x80, v4, vm0, $0xb8;
	[tilespmem:$0x10100] =	vst v63  }
0x8d: {  	s29 =	simm.s32 $0xA900  }
0x8e: {  	[tilespmem:s29], [sflag:$0x1] =	stream.indirect_vreg.gather [hbm4b:s3+s2], $0x80, v3, vm0, $0xb8;
	[tilespmem:$0x10100] =	vst v63  }
0x8f: {  	v3 =	vld [tilespmem:$0xB0];
	_ =	sdelay $0x4  }
0x90: {  	v11 =	vshll.u32 v3, $0x1  }
0x91: {  	v3 =	vand.u32 $0x7, v3;
	v4 =	vand.u32 $0xFFFFFFF0, v11  }
0x92: {  	v3 =	vor.u32 v3, v4  }
0x93: {  	v4 =	vperm.xlane v3, v0;
	_ =	sdelay $0x1  }
0x94: {  	v3 =	vperm.xlane v3, v2;
	v4 =	vadd.s32 v1, v4;
	_ =	sdelay $0x1  }
0x95: {  	v3 =	vadd.s32 v1, v3;
	_ =	sdelay $0x1  }
0x96: {  	s30 =	simm.s32 $0xB100  }
0x97: {  	[tilespmem:s30], [sflag:$0x1] =	stream.indirect_vreg.gather [hbm4b:s3+s2], $0x80, v4, vm0, $0xb8;
	[tilespmem:$0x10100] =	vst v63  }
0x98: {  	s31 =	simm.s32 $0xB900  }
0x99: {  	[tilespmem:s31], [sflag:$0x1] =	stream.indirect_vreg.gather [hbm4b:s3+s2], $0x80, v3, vm0, $0xb8;
	[tilespmem:$0x10100] =	vst v63  }
0x9a: {  	v3 =	vld [tilespmem:$0xC0];
	_ =	sdelay $0x4  }
0x9b: {  	v12 =	vshll.u32 v3, $0x1  }
0x9c: {  	v3 =	vand.u32 $0x7, v3;
	v4 =	vand.u32 $0xFFFFFFF0, v12  }
0x9d: {  	v3 =	vor.u32 v3, v4  }
0x9e: {  	v4 =	vperm.xlane v3, v0;
	_ =	sdelay $0x1  }
0x9f: {  	v3 =	vperm.xlane v3, v2;
	v4 =	vadd.s32 v1, v4;
	_ =	sdelay $0x1  }
0xa0: {  	v3 =	vadd.s32 v1, v3;
	_ =	sdelay $0x1  }
0xa1: {  	s9 =	simm.s32 $0xC100  }
0xa2: {  	[tilespmem:s9], [sflag:$0x1] =	stream.indirect_vreg.gather [hbm4b:s3+s2], $0x80, v4, vm0, $0xb8;
	[tilespmem:$0x10100] =	vst v63  }
0xa3: {  	s11 =	simm.s32 $0xC900  }
0xa4: {  	[tilespmem:s11], [sflag:$0x1] =	stream.indirect_vreg.gather [hbm4b:s3+s2], $0x80, v3, vm0, $0xb8;
	[tilespmem:$0x10100] =	vst v63  }
0xa5: {  	v3 =	vld [tilespmem:$0xD0];
	_ =	sdelay $0x4  }
0xa6: {  	v13 =	vshll.u32 v3, $0x1  }
0xa7: {  	v3 =	vand.u32 $0x7, v3;
	v4 =	vand.u32 $0xFFFFFFF0, v13  }
0xa8: {  	v3 =	vor.u32 v3, v4  }
0xa9: {  	v4 =	vperm.xlane v3, v0;
	_ =	sdelay $0x1  }
0xaa: {  	v3 =	vperm.xlane v3, v2;
	v4 =	vadd.s32 v1, v4;
	_ =	sdelay $0x1  }
0xab: {  	v3 =	vadd.s32 v1, v3;
	_ =	sdelay $0x1  }
0xac: {  	s14 =	simm.s32 $0xD100  }
0xad: {  	[tilespmem:s14], [sflag:$0x1] =	stream.indirect_vreg.gather [hbm4b:s3+s2], $0x80, v4, vm0, $0xb8;
	[tilespmem:$0x10100] =	vst v63  }
0xae: {  	s15 =	simm.s32 $0xD900  }
0xaf: {  	[tilespmem:s15], [sflag:$0x1] =	stream.indirect_vreg.gather [hbm4b:s3+s2], $0x80, v3, vm0, $0xb8;
	[tilespmem:$0x10100] =	vst v63  }
0xb0: {  	v3 =	vld [tilespmem:$0xE0];
	_ =	sdelay $0x4  }
0xb1: {  	v14 =	vshll.u32 v3, $0x1  }
0xb2: {  	v3 =	vand.u32 $0x7, v3;
	v4 =	vand.u32 $0xFFFFFFF0, v14  }
0xb3: {  	v3 =	vor.u32 v3, v4  }
0xb4: {  	v4 =	vperm.xlane v3, v0;
	_ =	sdelay $0x1  }
0xb5: {  	v3 =	vperm.xlane v3, v2;
	v4 =	vadd.s32 v1, v4;
	_ =	sdelay $0x1  }
0xb6: {  	v3 =	vadd.s32 v1, v3;
	_ =	sdelay $0x1  }
0xb7: {  	s16 =	simm.s32 $0xE100  }
0xb8: {  	[tilespmem:s16], [sflag:$0x1] =	stream.indirect_vreg.gather [hbm4b:s3+s2], $0x80, v4, vm0, $0xb8;
	[tilespmem:$0x10100] =	vst v63  }
0xb9: {  	s18 =	simm.s32 $0xE900  }
0xba: {  	[tilespmem:s18], [sflag:$0x1] =	stream.indirect_vreg.gather [hbm4b:s3+s2], $0x80, v3, vm0, $0xb8;
	[tilespmem:$0x10100] =	vst v63  }
0xbb: {  	v3 =	vld [tilespmem:$0xF0];
	_ =	sdelay $0x4  }
0xbc: {  	v15 =	vshll.u32 v3, $0x1  }
0xbd: {  	v3 =	vand.u32 $0x7, v3;
	v4 =	vand.u32 $0xFFFFFFF0, v15  }
0xbe: {  	v3 =	vor.u32 v3, v4  }
0xbf: {  	v4 =	vperm.xlane v3, v0;
	_ =	sdelay $0x1  }
0xc0: {  	v3 =	vperm.xlane v3, v2;
	v4 =	vadd.s32 v1, v4;
	_ =	sdelay $0x1  }
0xc1: {  	v3 =	vadd.s32 v1, v3;
	_ =	sdelay $0x1  }
0xc2: {  	s19 =	simm.s32 $0xF100  }
0xc3: {  	[tilespmem:s19], [sflag:$0x1] =	stream.indirect_vreg.gather [hbm4b:s3+s2], $0x80, v4, vm0, $0xb8;
	[tilespmem:$0x10100] =	vst v63  }
0xc4: {  	s20 =	simm.s32 $0xF900  }
0xc5: {  	[tilespmem:s20], [sflag:$0x1] =	stream.indirect_vreg.gather [hbm4b:s3+s2], $0x80, v3, vm0, $0xb8;
	[tilespmem:$0x10100] =	vst v63  }
0xc6: {  	_ =	swait.ge [sflag:s12], $0x10000  }
0xc7: {  	[sflag:s12] =	ssyncset.done $0x0  }
0xc8: {  	s21 =	rddreg [dreg:$0x4];
	[sflag:s12] =	ssyncadd.s32 $0xFFFF0000  }
0xc9: {  	[hbm4b:s21+s2] =	stream.linear.scatter [tilespmem:s28], [sflag:$0x2], $0x10000, $0x38;
	[tilespmem:$0x10100] =	vst v63  }
0xca: {  	_ =	swait.ge [sflag:s5], $0x10000  }
0xcb: {  	[sflag:s5] =	ssyncset.done $0x0  }
0xcc: {  	s22 =	rddreg [dreg:$0x5];
	[sflag:s5] =	ssyncadd.s32 $0xFFFF0000  }
0xcd: {  	[tilespmem:s2], [sflag:$0x2] =	stream.linear.gather [hbm4b:s22+s2], $0x100, $0x38;
	[tilespmem:$0x10100] =	vst v63  }
0xce: {  	_ =	swait.ge [sflag:s5], $0x100  }
0xcf: {  	[sflag:s5] =	ssyncset.done $0x0  }
0xd0: {  	[sflag:s5] =	ssyncadd.s32 $0xFFFFFF00  }
0xd1: {  	v3 =	vld [tilespmem:$0x0];
	_ =	sdelay $0x4  }
0xd2: {  	v16 =	vshll.u32 v3, $0x1  }
0xd3: {  	v3 =	vand.u32 $0x7, v3;
	v4 =	vand.u32 $0xFFFFFFF0, v16  }
0xd4: {  	v3 =	vor.u32 v3, v4  }
0xd5: {  	v4 =	vperm.xlane v3, v0;
	_ =	sdelay $0x1  }
0xd6: {  	v3 =	vperm.xlane v3, v2;
	v4 =	vadd.s32 v1, v4;
	_ =	sdelay $0x1  }
0xd7: {  	v3 =	vadd.s32 v1, v3;
	_ =	sdelay $0x2  }
0xd8: {  	[tilespmem:s28], [sflag:$0x1] =	stream.indirect_vreg.gather [hbm4b:s3+s2], $0x80, v4, vm0, $0xb8;
	[tilespmem:$0x10100] =	vst v63  }
0xd9: {  	s6 =	simm.s32 $0x900  }
0xda: {  	[tilespmem:s6], [sflag:$0x1] =	stream.indirect_vreg.gather [hbm4b:s3+s2], $0x80, v3, vm0, $0xb8;
	[tilespmem:$0x10100] =	vst v63  }
0xdb: {  	v3 =	vld [tilespmem:$0x10];
	_ =	sdelay $0x4  }
0xdc: {  	v17 =	vshll.u32 v3, $0x1  }
0xdd: {  	v3 =	vand.u32 $0x7, v3;
	v4 =	vand.u32 $0xFFFFFFF0, v17  }
0xde: {  	v3 =	vor.u32 v3, v4  }
0xdf: {  	v4 =	vperm.xlane v3, v0;
	_ =	sdelay $0x1  }
0xe0: {  	v3 =	vperm.xlane v3, v2;
	v4 =	vadd.s32 v1, v4;
	_ =	sdelay $0x1  }
0xe1: {  	v3 =	vadd.s32 v1, v3;
	_ =	sdelay $0x1  }
0xe2: {  	s1 =	simm.s32 $0x1100  }
0xe3: {  	[tilespmem:s1], [sflag:$0x1] =	stream.indirect_vreg.gather [hbm4b:s3+s2], $0x80, v4, vm0, $0xb8;
	[tilespmem:$0x10100] =	vst v63  }
0xe4: {  	s8 =	simm.s32 $0x1900  }
0xe5: {  	[tilespmem:s8], [sflag:$0x1] =	stream.indirect_vreg.gather [hbm4b:s3+s2], $0x80, v3, vm0, $0xb8;
	[tilespmem:$0x10100] =	vst v63  }
0xe6: {  	v3 =	vld [tilespmem:$0x20];
	_ =	sdelay $0x4  }
0xe7: {  	v18 =	vshll.u32 v3, $0x1  }
0xe8: {  	v3 =	vand.u32 $0x7, v3;
	v4 =	vand.u32 $0xFFFFFFF0, v18  }
0xe9: {  	v3 =	vor.u32 v3, v4  }
0xea: {  	v4 =	vperm.xlane v3, v0;
	_ =	sdelay $0x1  }
0xeb: {  	v3 =	vperm.xlane v3, v2;
	v4 =	vadd.s32 v1, v4;
	_ =	sdelay $0x1  }
0xec: {  	v3 =	vadd.s32 v1, v3;
	_ =	sdelay $0x1  }
0xed: {  	s6 =	simm.s32 $0x2100  }
0xee: {  	[tilespmem:s6], [sflag:$0x1] =	stream.indirect_vreg.gather [hbm4b:s3+s2], $0x80, v4, vm0, $0xb8;
	[tilespmem:$0x10100] =	vst v63  }
0xef: {  	s9 =	simm.s32 $0x2900  }
0xf0: {  	[tilespmem:s9], [sflag:$0x1] =	stream.indirect_vreg.gather [hbm4b:s3+s2], $0x80, v3, vm0, $0xb8;
	[tilespmem:$0x10100] =	vst v63  }
0xf1: {  	v3 =	vld [tilespmem:$0x30];
	_ =	sdelay $0x4  }
0xf2: {  	v19 =	vshll.u32 v3, $0x1  }
0xf3: {  	v3 =	vand.u32 $0x7, v3;
	v4 =	vand.u32 $0xFFFFFFF0, v19  }
0xf4: {  	v3 =	vor.u32 v3, v4  }
0xf5: {  	v4 =	vperm.xlane v3, v0;
	_ =	sdelay $0x1  }
0xf6: {  	v3 =	vperm.xlane v3, v2;
	v4 =	vadd.s32 v1, v4;
	_ =	sdelay $0x1  }
0xf7: {  	v3 =	vadd.s32 v1, v3;
	_ =	sdelay $0x1  }
0xf8: {  	s7 =	simm.s32 $0x3100  }
0xf9: {  	[tilespmem:s7], [sflag:$0x1] =	stream.indirect_vreg.gather [hbm4b:s3+s2], $0x80, v4, vm0, $0xb8;
	[tilespmem:$0x10100] =	vst v63  }
0xfa: {  	s10 =	simm.s32 $0x3900  }
0xfb: {  	[tilespmem:s10], [sflag:$0x1] =	stream.indirect_vreg.gather [hbm4b:s3+s2], $0x80, v3, vm0, $0xb8;
	[tilespmem:$0x10100] =	vst v63  }
0xfc: {  	v3 =	vld [tilespmem:$0x40];
	_ =	sdelay $0x4  }
0xfd: {  	v20 =	vshll.u32 v3, $0x1  }
0xfe: {  	v3 =	vand.u32 $0x7, v3;
	v4 =	vand.u32 $0xFFFFFFF0, v20  }
0xff: {  	v3 =	vor.u32 v3, v4  }
0x100: {  	v4 =	vperm.xlane v3, v0;
	_ =	sdelay $0x1  }
0x101: {  	v3 =	vperm.xlane v3, v2;
	v4 =	vadd.s32 v1, v4;
	_ =	sdelay $0x1  }
0x102: {  	v3 =	vadd.s32 v1, v3;
	_ =	sdelay $0x1  }
0x103: {  	s10 =	simm.s32 $0x4100  }
0x104: {  	[tilespmem:s10], [sflag:$0x1] =	stream.indirect_vreg.gather [hbm4b:s3+s2], $0x80, v4, vm0, $0xb8;
	[tilespmem:$0x10100] =	vst v63  }
0x105: {  	s11 =	simm.s32 $0x4900  }
0x106: {  	[tilespmem:s11], [sflag:$0x1] =	stream.indirect_vreg.gather [hbm4b:s3+s2], $0x80, v3, vm0, $0xb8;
	[tilespmem:$0x10100] =	vst v63  }
0x107: {  	v3 =	vld [tilespmem:$0x50];
	_ =	sdelay $0x4  }
0x108: {  	v21 =	vshll.u32 v3, $0x1  }
0x109: {  	v3 =	vand.u32 $0x7, v3;
	v4 =	vand.u32 $0xFFFFFFF0, v21  }
0x10a: {  	v3 =	vor.u32 v3, v4  }
0x10b: {  	v4 =	vperm.xlane v3, v0;
	_ =	sdelay $0x1  }
0x10c: {  	v3 =	vperm.xlane v3, v2;
	v4 =	vadd.s32 v1, v4;
	_ =	sdelay $0x1  }
0x10d: {  	v3 =	vadd.s32 v1, v3;
	_ =	sdelay $0x1  }
0x10e: {  	s14 =	simm.s32 $0x5100  }
0x10f: {  	[tilespmem:s14], [sflag:$0x1] =	stream.indirect_vreg.gather [hbm4b:s3+s2], $0x80, v4, vm0, $0xb8;
	[tilespmem:$0x10100] =	vst v63  }
0x110: {  	s15 =	simm.s32 $0x5900  }
0x111: {  	[tilespmem:s15], [sflag:$0x1] =	stream.indirect_vreg.gather [hbm4b:s3+s2], $0x80, v3, vm0, $0xb8;
	[tilespmem:$0x10100] =	vst v63  }
0x112: {  	v3 =	vld [tilespmem:$0x60];
	_ =	sdelay $0x4  }
0x113: {  	v22 =	vshll.u32 v3, $0x1  }
0x114: {  	v3 =	vand.u32 $0x7, v3;
	v4 =	vand.u32 $0xFFFFFFF0, v22  }
0x115: {  	v3 =	vor.u32 v3, v4  }
0x116: {  	v4 =	vperm.xlane v3, v0;
	_ =	sdelay $0x1  }
0x117: {  	v3 =	vperm.xlane v3, v2;
	v4 =	vadd.s32 v1, v4;
	_ =	sdelay $0x1  }
0x118: {  	v3 =	vadd.s32 v1, v3;
	_ =	sdelay $0x1  }
0x119: {  	s16 =	simm.s32 $0x6100  }
0x11a: {  	[tilespmem:s16], [sflag:$0x1] =	stream.indirect_vreg.gather [hbm4b:s3+s2], $0x80, v4, vm0, $0xb8;
	[tilespmem:$0x10100] =	vst v63  }
0x11b: {  	s18 =	simm.s32 $0x6900  }
0x11c: {  	[tilespmem:s18], [sflag:$0x1] =	stream.indirect_vreg.gather [hbm4b:s3+s2], $0x80, v3, vm0, $0xb8;
	[tilespmem:$0x10100] =	vst v63  }
0x11d: {  	v3 =	vld [tilespmem:$0x70];
	_ =	sdelay $0x4  }
0x11e: {  	v23 =	vshll.u32 v3, $0x1  }
0x11f: {  	v3 =	vand.u32 $0x7, v3;
	v4 =	vand.u32 $0xFFFFFFF0, v23  }
0x120: {  	v3 =	vor.u32 v3, v4  }
0x121: {  	v4 =	vperm.xlane v3, v0;
	_ =	sdelay $0x1  }
0x122: {  	v3 =	vperm.xlane v3, v2;
	v4 =	vadd.s32 v1, v4;
	_ =	sdelay $0x1  }
0x123: {  	v3 =	vadd.s32 v1, v3;
	_ =	sdelay $0x1  }
0x124: {  	s19 =	simm.s32 $0x7100  }
0x125: {  	[tilespmem:s19], [sflag:$0x1] =	stream.indirect_vreg.gather [hbm4b:s3+s2], $0x80, v4, vm0, $0xb8;
	[tilespmem:$0x10100] =	vst v63  }
0x126: {  	s20 =	simm.s32 $0x7900  }
0x127: {  	[tilespmem:s20], [sflag:$0x1] =	stream.indirect_vreg.gather [hbm4b:s3+s2], $0x80, v3, vm0, $0xb8;
	[tilespmem:$0x10100] =	vst v63  }
0x128: {  	v3 =	vld [tilespmem:$0x80];
	_ =	sdelay $0x4  }
0x129: {  	v24 =	vshll.u32 v3, $0x1  }
0x12a: {  	v3 =	vand.u32 $0x7, v3;
	v4 =	vand.u32 $0xFFFFFFF0, v24  }
0x12b: {  	v3 =	vor.u32 v3, v4  }
0x12c: {  	v4 =	vperm.xlane v3, v0;
	_ =	sdelay $0x1  }
0x12d: {  	v3 =	vperm.xlane v3, v2;
	v4 =	vadd.s32 v1, v4;
	_ =	sdelay $0x1  }
0x12e: {  	v3 =	vadd.s32 v1, v3;
	_ =	sdelay $0x1  }
0x12f: {  	s21 =	simm.s32 $0x8100  }
0x130: {  	[tilespmem:s21], [sflag:$0x1] =	stream.indirect_vreg.gather [hbm4b:s3+s2], $0x80, v4, vm0, $0xb8;
	[tilespmem:$0x10100] =	vst v63  }
0x131: {  	s22 =	simm.s32 $0x8900  }
0x132: {  	[tilespmem:s22], [sflag:$0x1] =	stream.indirect_vreg.gather [hbm4b:s3+s2], $0x80, v3, vm0, $0xb8;
	[tilespmem:$0x10100] =	vst v63  }
0x133: {  	v3 =	vld [tilespmem:$0x90];
	_ =	sdelay $0x4  }
0x134: {  	v25 =	vshll.u32 v3, $0x1  }
0x135: {  	v3 =	vand.u32 $0x7, v3;
	v4 =	vand.u32 $0xFFFFFFF0, v25  }
0x136: {  	v3 =	vor.u32 v3, v4  }
0x137: {  	v4 =	vperm.xlane v3, v0;
	_ =	sdelay $0x1  }
0x138: {  	v3 =	vperm.xlane v3, v2;
	v4 =	vadd.s32 v1, v4;
	_ =	sdelay $0x1  }
0x139: {  	v3 =	vadd.s32 v1, v3;
	_ =	sdelay $0x1  }
0x13a: {  	s0 =	simm.s32 $0x9100  }
0x13b: {  	[tilespmem:s0], [sflag:$0x1] =	stream.indirect_vreg.gather [hbm4b:s3+s2], $0x80, v4, vm0, $0xb8;
	[tilespmem:$0x10100] =	vst v63  }
0x13c: {  	s7 =	simm.s32 $0x9900  }
0x13d: {  	[tilespmem:s7], [sflag:$0x1] =	stream.indirect_vreg.gather [hbm4b:s3+s2], $0x80, v3, vm0, $0xb8;
	[tilespmem:$0x10100] =	vst v63  }
0x13e: {  	v3 =	vld [tilespmem:$0xA0];
	_ =	sdelay $0x4  }
0x13f: {  	v26 =	vshll.u32 v3, $0x1  }
0x140: {  	v3 =	vand.u32 $0x7, v3;
	v4 =	vand.u32 $0xFFFFFFF0, v26  }
0x141: {  	v3 =	vor.u32 v3, v4  }
0x142: {  	v4 =	vperm.xlane v3, v0;
	_ =	sdelay $0x1  }
0x143: {  	v3 =	vperm.xlane v3, v2;
	v4 =	vadd.s32 v1, v4;
	_ =	sdelay $0x1  }
0x144: {  	v3 =	vadd.s32 v1, v3;
	_ =	sdelay $0x1  }
0x145: {  	s1 =	simm.s32 $0xA100  }
0x146: {  	[tilespmem:s1], [sflag:$0x1] =	stream.indirect_vreg.gather [hbm4b:s3+s2], $0x80, v4, vm0, $0xb8;
	[tilespmem:$0x10100] =	vst v63  }
0x147: {  	s8 =	simm.s32 $0xA900  }
0x148: {  	[tilespmem:s8], [sflag:$0x1] =	stream.indirect_vreg.gather [hbm4b:s3+s2], $0x80, v3, vm0, $0xb8;
	[tilespmem:$0x10100] =	vst v63  }
0x149: {  	v3 =	vld [tilespmem:$0xB0];
	_ =	sdelay $0x4  }
0x14a: {  	v27 =	vshll.u32 v3, $0x1  }
0x14b: {  	v3 =	vand.u32 $0x7, v3;
	v4 =	vand.u32 $0xFFFFFFF0, v27  }
0x14c: {  	v3 =	vor.u32 v3, v4  }
0x14d: {  	v4 =	vperm.xlane v3, v0;
	_ =	sdelay $0x1  }
0x14e: {  	v3 =	vperm.xlane v3, v2;
	v4 =	vadd.s32 v1, v4;
	_ =	sdelay $0x1  }
0x14f: {  	v3 =	vadd.s32 v1, v3;
	_ =	sdelay $0x1  }
0x150: {  	s17 =	simm.s32 $0xB100  }
0x151: {  	[tilespmem:s17], [sflag:$0x1] =	stream.indirect_vreg.gather [hbm4b:s3+s2], $0x80, v4, vm0, $0xb8;
	[tilespmem:$0x10100] =	vst v63  }
0x152: {  	s17 =	simm.s32 $0xB900  }
0x153: {  	[tilespmem:s17], [sflag:$0x1] =	stream.indirect_vreg.gather [hbm4b:s3+s2], $0x80, v3, vm0, $0xb8;
	[tilespmem:$0x10100] =	vst v63  }
0x154: {  	v3 =	vld [tilespmem:$0xC0];
	_ =	sdelay $0x4  }
0x155: {  	v28 =	vshll.u32 v3, $0x1  }
0x156: {  	v3 =	vand.u32 $0x7, v3;
	v4 =	vand.u32 $0xFFFFFFF0, v28  }
0x157: {  	v3 =	vor.u32 v3, v4  }
0x158: {  	v4 =	vperm.xlane v3, v0;
	_ =	sdelay $0x1  }
0x159: {  	v3 =	vperm.xlane v3, v2;
	v4 =	vadd.s32 v1, v4;
	_ =	sdelay $0x1  }
0x15a: {  	v3 =	vadd.s32 v1, v3;
	_ =	sdelay $0x1  }
0x15b: {  	s30 =	simm.s32 $0xC100  }
0x15c: {  	[tilespmem:s30], [sflag:$0x1] =	stream.indirect_vreg.gather [hbm4b:s3+s2], $0x80, v4, vm0, $0xb8;
	[tilespmem:$0x10100] =	vst v63  }
0x15d: {  	s23 =	simm.s32 $0xC900  }
0x15e: {  	[tilespmem:s23], [sflag:$0x1] =	stream.indirect_vreg.gather [hbm4b:s3+s2], $0x80, v3, vm0, $0xb8;
	[tilespmem:$0x10100] =	vst v63  }
0x15f: {  	v3 =	vld [tilespmem:$0xD0];
	_ =	sdelay $0x4  }
0x160: {  	v29 =	vshll.u32 v3, $0x1  }
0x161: {  	v3 =	vand.u32 $0x7, v3;
	v4 =	vand.u32 $0xFFFFFFF0, v29  }
0x162: {  	v3 =	vor.u32 v3, v4  }
0x163: {  	v4 =	vperm.xlane v3, v0;
	_ =	sdelay $0x1  }
0x164: {  	v3 =	vperm.xlane v3, v2;
	v4 =	vadd.s32 v1, v4;
	_ =	sdelay $0x1  }
0x165: {  	v3 =	vadd.s32 v1, v3;
	_ =	sdelay $0x1  }
0x166: {  	s31 =	simm.s32 $0xD100  }
0x167: {  	[tilespmem:s31], [sflag:$0x1] =	stream.indirect_vreg.gather [hbm4b:s3+s2], $0x80, v4, vm0, $0xb8;
	[tilespmem:$0x10100] =	vst v63  }
0x168: {  	s24 =	simm.s32 $0xD900  }
0x169: {  	[tilespmem:s24], [sflag:$0x1] =	stream.indirect_vreg.gather [hbm4b:s3+s2], $0x80, v3, vm0, $0xb8;
	[tilespmem:$0x10100] =	vst v63  }
0x16a: {  	v3 =	vld [tilespmem:$0xE0];
	_ =	sdelay $0x4  }
0x16b: {  	v30 =	vshll.u32 v3, $0x1  }
0x16c: {  	v3 =	vand.u32 $0x7, v3;
	v4 =	vand.u32 $0xFFFFFFF0, v30  }
0x16d: {  	v3 =	vor.u32 v3, v4  }
0x16e: {  	v4 =	vperm.xlane v3, v0;
	_ =	sdelay $0x1  }
0x16f: {  	v3 =	vperm.xlane v3, v2;
	v4 =	vadd.s32 v1, v4;
	_ =	sdelay $0x1  }
0x170: {  	v3 =	vadd.s32 v1, v3;
	_ =	sdelay $0x1  }
0x171: {  	s24 =	simm.s32 $0xE100  }
0x172: {  	[tilespmem:s24], [sflag:$0x1] =	stream.indirect_vreg.gather [hbm4b:s3+s2], $0x80, v4, vm0, $0xb8;
	[tilespmem:$0x10100] =	vst v63  }
0x173: {  	s25 =	simm.s32 $0xE900  }
0x174: {  	[tilespmem:s25], [sflag:$0x1] =	stream.indirect_vreg.gather [hbm4b:s3+s2], $0x80, v3, vm0, $0xb8;
	[tilespmem:$0x10100] =	vst v63  }
0x175: {  	v3 =	vld [tilespmem:$0xF0];
	_ =	sdelay $0x4  }
0x176: {  	v31 =	vshll.u32 v3, $0x1  }
0x177: {  	v3 =	vand.u32 $0x7, v3;
	v4 =	vand.u32 $0xFFFFFFF0, v31  }
0x178: {  	v3 =	vor.u32 v3, v4  }
0x179: {  	v4 =	vperm.xlane v3, v0;
	_ =	sdelay $0x1  }
0x17a: {  	v3 =	vperm.xlane v3, v2;
	v4 =	vadd.s32 v1, v4;
	_ =	sdelay $0x1  }
0x17b: {  	v3 =	vadd.s32 v1, v3;
	_ =	sdelay $0x1  }
0x17c: {  	s25 =	simm.s32 $0xF100  }
0x17d: {  	[tilespmem:s25], [sflag:$0x1] =	stream.indirect_vreg.gather [hbm4b:s3+s2], $0x80, v4, vm0, $0xb8;
	[tilespmem:$0x10100] =	vst v63  }
0x17e: {  	s26 =	simm.s32 $0xF900  }
0x17f: {  	[tilespmem:s26], [sflag:$0x1] =	stream.indirect_vreg.gather [hbm4b:s3+s2], $0x80, v3, vm0, $0xb8;
	[tilespmem:$0x10100] =	vst v63  }
0x180: {  	_ =	swait.ge [sflag:s12], $0x10000  }
0x181: {  	[sflag:s12] =	ssyncset.done $0x0  }
0x182: {  	s26 =	rddreg [dreg:$0x6];
	[sflag:s12] =	ssyncadd.s32 $0xFFFF0000  }
0x183: {  	[hbm4b:s26+s2] =	stream.linear.scatter [tilespmem:s28], [sflag:$0x2], $0x10000, $0x38;
	[tilespmem:$0x10100] =	vst v63  }
0x184: {  	_ =	swait.ge [sflag:s5], $0x10000  }
0x185: {  	[sflag:s5] =	ssyncset.done $0x0  }
0x186: {  	s23 =	rddreg [dreg:$0x7];
	[sflag:s5] =	ssyncadd.s32 $0xFFFF0000  }
0x187: {  	[tilespmem:s2], [sflag:$0x2] =	stream.linear.gather [hbm4b:s23+s2], $0x100, $0x38;
	[tilespmem:$0x10100] =	vst v63  }
0x188: {  	_ =	swait.ge [sflag:s5], $0x100  }
0x189: {  	[sflag:s5] =	ssyncset.done $0x0  }
0x18a: {  	[sflag:s5] =	ssyncadd.s32 $0xFFFFFF00  }
0x18b: {  	v3 =	vld [tilespmem:$0x0];
	_ =	sdelay $0x4  }
0x18c: {  	v32 =	vshll.u32 v3, $0x1  }
0x18d: {  	v3 =	vand.u32 $0x7, v3;
	v4 =	vand.u32 $0xFFFFFFF0, v32  }
0x18e: {  	v3 =	vor.u32 v3, v4  }
0x18f: {  	v4 =	vperm.xlane v3, v0;
	_ =	sdelay $0x1  }
0x190: {  	v3 =	vperm.xlane v3, v2;
	v4 =	vadd.s32 v1, v4;
	_ =	sdelay $0x1  }
0x191: {  	v3 =	vadd.s32 v1, v3;
	_ =	sdelay $0x2  }
0x192: {  	[tilespmem:s28], [sflag:$0x1] =	stream.indirect_vreg.gather [hbm4b:s3+s2], $0x80, v4, vm0, $0xb8;
	[tilespmem:$0x10100] =	vst v63  }
0x193: {  	s25 =	simm.s32 $0x900  }
0x194: {  	[tilespmem:s25], [sflag:$0x1] =	stream.indirect_vreg.gather [hbm4b:s3+s2], $0x80, v3, vm0, $0xb8;
	[tilespmem:$0x10100] =	vst v63  }
0x195: {  	v3 =	vld [tilespmem:$0x10];
	_ =	sdelay $0x4  }
0x196: {  	v33 =	vshll.u32 v3, $0x1  }
0x197: {  	v3 =	vand.u32 $0x7, v3;
	v4 =	vand.u32 $0xFFFFFFF0, v33  }
0x198: {  	v3 =	vor.u32 v3, v4  }
0x199: {  	v4 =	vperm.xlane v3, v0;
	_ =	sdelay $0x1  }
0x19a: {  	v3 =	vperm.xlane v3, v2;
	v4 =	vadd.s32 v1, v4;
	_ =	sdelay $0x1  }
0x19b: {  	v3 =	vadd.s32 v1, v3;
	_ =	sdelay $0x1  }
0x19c: {  	s26 =	simm.s32 $0x1100  }
0x19d: {  	[tilespmem:s26], [sflag:$0x1] =	stream.indirect_vreg.gather [hbm4b:s3+s2], $0x80, v4, vm0, $0xb8;
	[tilespmem:$0x10100] =	vst v63  }
0x19e: {  	s23 =	simm.s32 $0x1900  }
0x19f: {  	[tilespmem:s23], [sflag:$0x1] =	stream.indirect_vreg.gather [hbm4b:s3+s2], $0x80, v3, vm0, $0xb8;
	[tilespmem:$0x10100] =	vst v63  }
0x1a0: {  	v3 =	vld [tilespmem:$0x20];
	_ =	sdelay $0x4  }
0x1a1: {  	v34 =	vshll.u32 v3, $0x1  }
0x1a2: {  	v3 =	vand.u32 $0x7, v3;
	v4 =	vand.u32 $0xFFFFFFF0, v34  }
0x1a3: {  	v3 =	vor.u32 v3, v4  }
0x1a4: {  	v4 =	vperm.xlane v3, v0;
	_ =	sdelay $0x1  }
0x1a5: {  	v3 =	vperm.xlane v3, v2;
	v4 =	vadd.s32 v1, v4;
	_ =	sdelay $0x1  }
0x1a6: {  	v3 =	vadd.s32 v1, v3;
	_ =	sdelay $0x2  }
0x1a7: {  	[tilespmem:s6], [sflag:$0x1] =	stream.indirect_vreg.gather [hbm4b:s3+s2], $0x80, v4, vm0, $0xb8;
	[tilespmem:$0x10100] =	vst v63  }
0x1a8: {  	_ = 	snop  }
0x1a9: {  	[tilespmem:s9], [sflag:$0x1] =	stream.indirect_vreg.gather [hbm4b:s3+s2], $0x80, v3, vm0, $0xb8;
	[tilespmem:$0x10100] =	vst v63  }
0x1aa: {  	v3 =	vld [tilespmem:$0x30];
	_ =	sdelay $0x4  }
0x1ab: {  	v35 =	vshll.u32 v3, $0x1  }
0x1ac: {  	v3 =	vand.u32 $0x7, v3;
	v4 =	vand.u32 $0xFFFFFFF0, v35  }
0x1ad: {  	v3 =	vor.u32 v3, v4  }
0x1ae: {  	v4 =	vperm.xlane v3, v0;
	_ =	sdelay $0x1  }
0x1af: {  	v3 =	vperm.xlane v3, v2;
	v4 =	vadd.s32 v1, v4;
	_ =	sdelay $0x1  }
0x1b0: {  	v3 =	vadd.s32 v1, v3;
	_ =	sdelay $0x1  }
0x1b1: {  	s25 =	simm.s32 $0x3100  }
0x1b2: {  	[tilespmem:s25], [sflag:$0x1] =	stream.indirect_vreg.gather [hbm4b:s3+s2], $0x80, v4, vm0, $0xb8;
	[tilespmem:$0x10100] =	vst v63  }
0x1b3: {  	s26 =	simm.s32 $0x3900  }
0x1b4: {  	[tilespmem:s26], [sflag:$0x1] =	stream.indirect_vreg.gather [hbm4b:s3+s2], $0x80, v3, vm0, $0xb8;
	[tilespmem:$0x10100] =	vst v63  }
0x1b5: {  	v3 =	vld [tilespmem:$0x40];
	_ =	sdelay $0x4  }
0x1b6: {  	v36 =	vshll.u32 v3, $0x1  }
0x1b7: {  	v3 =	vand.u32 $0x7, v3;
	v4 =	vand.u32 $0xFFFFFFF0, v36  }
0x1b8: {  	v3 =	vor.u32 v3, v4  }
0x1b9: {  	v4 =	vperm.xlane v3, v0;
	_ =	sdelay $0x1  }
0x1ba: {  	v3 =	vperm.xlane v3, v2;
	v4 =	vadd.s32 v1, v4;
	_ =	sdelay $0x1  }
0x1bb: {  	v3 =	vadd.s32 v1, v3;
	_ =	sdelay $0x2  }
0x1bc: {  	[tilespmem:s10], [sflag:$0x1] =	stream.indirect_vreg.gather [hbm4b:s3+s2], $0x80, v4, vm0, $0xb8;
	[tilespmem:$0x10100] =	vst v63  }
0x1bd: {  	_ = 	snop  }
0x1be: {  	[tilespmem:s11], [sflag:$0x1] =	stream.indirect_vreg.gather [hbm4b:s3+s2], $0x80, v3, vm0, $0xb8;
	[tilespmem:$0x10100] =	vst v63  }
0x1bf: {  	v3 =	vld [tilespmem:$0x50];
	_ =	sdelay $0x4  }
0x1c0: {  	v37 =	vshll.u32 v3, $0x1  }
0x1c1: {  	v3 =	vand.u32 $0x7, v3;
	v4 =	vand.u32 $0xFFFFFFF0, v37  }
0x1c2: {  	v3 =	vor.u32 v3, v4  }
0x1c3: {  	v4 =	vperm.xlane v3, v0;
	_ =	sdelay $0x1  }
0x1c4: {  	v3 =	vperm.xlane v3, v2;
	v4 =	vadd.s32 v1, v4;
	_ =	sdelay $0x1  }
0x1c5: {  	v3 =	vadd.s32 v1, v3;
	_ =	sdelay $0x2  }
0x1c6: {  	[tilespmem:s14], [sflag:$0x1] =	stream.indirect_vreg.gather [hbm4b:s3+s2], $0x80, v4, vm0, $0xb8;
	[tilespmem:$0x10100] =	vst v63  }
0x1c7: {  	_ = 	snop  }
0x1c8: {  	[tilespmem:s15], [sflag:$0x1] =	stream.indirect_vreg.gather [hbm4b:s3+s2], $0x80, v3, vm0, $0xb8;
	[tilespmem:$0x10100] =	vst v63  }
0x1c9: {  	v3 =	vld [tilespmem:$0x60];
	_ =	sdelay $0x4  }
0x1ca: {  	v38 =	vshll.u32 v3, $0x1  }
0x1cb: {  	v3 =	vand.u32 $0x7, v3;
	v4 =	vand.u32 $0xFFFFFFF0, v38  }
0x1cc: {  	v3 =	vor.u32 v3, v4  }
0x1cd: {  	v4 =	vperm.xlane v3, v0;
	_ =	sdelay $0x1  }
0x1ce: {  	v3 =	vperm.xlane v3, v2;
	v4 =	vadd.s32 v1, v4;
	_ =	sdelay $0x1  }
0x1cf: {  	v3 =	vadd.s32 v1, v3;
	_ =	sdelay $0x2  }
0x1d0: {  	[tilespmem:s16], [sflag:$0x1] =	stream.indirect_vreg.gather [hbm4b:s3+s2], $0x80, v4, vm0, $0xb8;
	[tilespmem:$0x10100] =	vst v63  }
0x1d1: {  	_ = 	snop  }
0x1d2: {  	[tilespmem:s18], [sflag:$0x1] =	stream.indirect_vreg.gather [hbm4b:s3+s2], $0x80, v3, vm0, $0xb8;
	[tilespmem:$0x10100] =	vst v63  }
0x1d3: {  	v3 =	vld [tilespmem:$0x70];
	_ =	sdelay $0x4  }
0x1d4: {  	v39 =	vshll.u32 v3, $0x1  }
0x1d5: {  	v3 =	vand.u32 $0x7, v3;
	v4 =	vand.u32 $0xFFFFFFF0, v39  }
0x1d6: {  	v3 =	vor.u32 v3, v4  }
0x1d7: {  	v4 =	vperm.xlane v3, v0;
	_ =	sdelay $0x1  }
0x1d8: {  	v3 =	vperm.xlane v3, v2;
	v4 =	vadd.s32 v1, v4;
	_ =	sdelay $0x1  }
0x1d9: {  	v3 =	vadd.s32 v1, v3;
	_ =	sdelay $0x2  }
0x1da: {  	[tilespmem:s19], [sflag:$0x1] =	stream.indirect_vreg.gather [hbm4b:s3+s2], $0x80, v4, vm0, $0xb8;
	[tilespmem:$0x10100] =	vst v63  }
0x1db: {  	_ = 	snop  }
0x1dc: {  	[tilespmem:s20], [sflag:$0x1] =	stream.indirect_vreg.gather [hbm4b:s3+s2], $0x80, v3, vm0, $0xb8;
	[tilespmem:$0x10100] =	vst v63  }
0x1dd: {  	v3 =	vld [tilespmem:$0x80];
	_ =	sdelay $0x4  }
0x1de: {  	v40 =	vshll.u32 v3, $0x1  }
0x1df: {  	v3 =	vand.u32 $0x7, v3;
	v4 =	vand.u32 $0xFFFFFFF0, v40  }
0x1e0: {  	v3 =	vor.u32 v3, v4  }
0x1e1: {  	v4 =	vperm.xlane v3, v0;
	_ =	sdelay $0x1  }
0x1e2: {  	v3 =	vperm.xlane v3, v2;
	v4 =	vadd.s32 v1, v4;
	_ =	sdelay $0x1  }
0x1e3: {  	v3 =	vadd.s32 v1, v3;
	_ =	sdelay $0x2  }
0x1e4: {  	[tilespmem:s21], [sflag:$0x1] =	stream.indirect_vreg.gather [hbm4b:s3+s2], $0x80, v4, vm0, $0xb8;
	[tilespmem:$0x10100] =	vst v63  }
0x1e5: {  	_ = 	snop  }
0x1e6: {  	[tilespmem:s22], [sflag:$0x1] =	stream.indirect_vreg.gather [hbm4b:s3+s2], $0x80, v3, vm0, $0xb8;
	[tilespmem:$0x10100] =	vst v63  }
0x1e7: {  	v3 =	vld [tilespmem:$0x90];
	_ =	sdelay $0x4  }
0x1e8: {  	v41 =	vshll.u32 v3, $0x1  }
0x1e9: {  	v3 =	vand.u32 $0x7, v3;
	v4 =	vand.u32 $0xFFFFFFF0, v41  }
0x1ea: {  	v3 =	vor.u32 v3, v4  }
0x1eb: {  	v4 =	vperm.xlane v3, v0;
	_ =	sdelay $0x1  }
0x1ec: {  	v3 =	vperm.xlane v3, v2;
	v4 =	vadd.s32 v1, v4;
	_ =	sdelay $0x1  }
0x1ed: {  	v3 =	vadd.s32 v1, v3;
	_ =	sdelay $0x2  }
0x1ee: {  	[tilespmem:s0], [sflag:$0x1] =	stream.indirect_vreg.gather [hbm4b:s3+s2], $0x80, v4, vm0, $0xb8;
	[tilespmem:$0x10100] =	vst v63  }
0x1ef: {  	_ = 	snop  }
0x1f0: {  	[tilespmem:s7], [sflag:$0x1] =	stream.indirect_vreg.gather [hbm4b:s3+s2], $0x80, v3, vm0, $0xb8;
	[tilespmem:$0x10100] =	vst v63  }
0x1f1: {  	v3 =	vld [tilespmem:$0xA0];
	_ =	sdelay $0x4  }
0x1f2: {  	v42 =	vshll.u32 v3, $0x1  }
0x1f3: {  	v3 =	vand.u32 $0x7, v3;
	v4 =	vand.u32 $0xFFFFFFF0, v42  }
0x1f4: {  	v3 =	vor.u32 v3, v4  }
0x1f5: {  	v4 =	vperm.xlane v3, v0;
	_ =	sdelay $0x1  }
0x1f6: {  	v3 =	vperm.xlane v3, v2;
	v4 =	vadd.s32 v1, v4;
	_ =	sdelay $0x1  }
0x1f7: {  	v3 =	vadd.s32 v1, v3;
	_ =	sdelay $0x2  }
0x1f8: {  	[tilespmem:s1], [sflag:$0x1] =	stream.indirect_vreg.gather [hbm4b:s3+s2], $0x80, v4, vm0, $0xb8;
	[tilespmem:$0x10100] =	vst v63  }
0x1f9: {  	_ = 	snop  }
0x1fa: {  	[tilespmem:s8], [sflag:$0x1] =	stream.indirect_vreg.gather [hbm4b:s3+s2], $0x80, v3, vm0, $0xb8;
	[tilespmem:$0x10100] =	vst v63  }
0x1fb: {  	v3 =	vld [tilespmem:$0xB0];
	_ =	sdelay $0x4  }
0x1fc: {  	v43 =	vshll.u32 v3, $0x1  }
0x1fd: {  	v3 =	vand.u32 $0x7, v3;
	v4 =	vand.u32 $0xFFFFFFF0, v43  }
0x1fe: {  	v3 =	vor.u32 v3, v4  }
0x1ff: {  	v4 =	vperm.xlane v3, v0;
	_ =	sdelay $0x1  }
0x200: {  	v3 =	vperm.xlane v3, v2;
	v4 =	vadd.s32 v1, v4;
	_ =	sdelay $0x1  }
0x201: {  	v3 =	vadd.s32 v1, v3;
	_ =	sdelay $0x1  }
0x202: {  	s29 =	simm.s32 $0xB100  }
0x203: {  	[tilespmem:s29], [sflag:$0x1] =	stream.indirect_vreg.gather [hbm4b:s3+s2], $0x80, v4, vm0, $0xb8;
	[tilespmem:$0x10100] =	vst v63  }
0x204: {  	_ = 	snop  }
0x205: {  	[tilespmem:s17], [sflag:$0x1] =	stream.indirect_vreg.gather [hbm4b:s3+s2], $0x80, v3, vm0, $0xb8;
	[tilespmem:$0x10100] =	vst v63  }
0x206: {  	v3 =	vld [tilespmem:$0xC0];
	_ =	sdelay $0x4  }
0x207: {  	v44 =	vshll.u32 v3, $0x1  }
0x208: {  	v3 =	vand.u32 $0x7, v3;
	v4 =	vand.u32 $0xFFFFFFF0, v44  }
0x209: {  	v3 =	vor.u32 v3, v4  }
0x20a: {  	v4 =	vperm.xlane v3, v0;
	_ =	sdelay $0x1  }
0x20b: {  	v3 =	vperm.xlane v3, v2;
	v4 =	vadd.s32 v1, v4;
	_ =	sdelay $0x1  }
0x20c: {  	v3 =	vadd.s32 v1, v3;
	_ =	sdelay $0x1  }
0x20d: {  	s29 =	simm.s32 $0xC100  }
0x20e: {  	[tilespmem:s29], [sflag:$0x1] =	stream.indirect_vreg.gather [hbm4b:s3+s2], $0x80, v4, vm0, $0xb8;
	[tilespmem:$0x10100] =	vst v63  }
0x20f: {  	s30 =	simm.s32 $0xC900  }
0x210: {  	[tilespmem:s30], [sflag:$0x1] =	stream.indirect_vreg.gather [hbm4b:s3+s2], $0x80, v3, vm0, $0xb8;
	[tilespmem:$0x10100] =	vst v63  }
0x211: {  	v3 =	vld [tilespmem:$0xD0];
	_ =	sdelay $0x4  }
0x212: {  	v45 =	vshll.u32 v3, $0x1  }
0x213: {  	v3 =	vand.u32 $0x7, v3;
	v4 =	vand.u32 $0xFFFFFFF0, v45  }
0x214: {  	v3 =	vor.u32 v3, v4  }
0x215: {  	v4 =	vperm.xlane v3, v0;
	_ =	sdelay $0x1  }
0x216: {  	v3 =	vperm.xlane v3, v2;
	v4 =	vadd.s32 v1, v4;
	_ =	sdelay $0x1  }
0x217: {  	v3 =	vadd.s32 v1, v3;
	_ =	sdelay $0x1  }
0x218: {  	s31 =	simm.s32 $0xD100  }
0x219: {  	[tilespmem:s31], [sflag:$0x1] =	stream.indirect_vreg.gather [hbm4b:s3+s2], $0x80, v4, vm0, $0xb8;
	[tilespmem:$0x10100] =	vst v63  }
0x21a: {  	s17 =	simm.s32 $0xD900  }
0x21b: {  	[tilespmem:s17], [sflag:$0x1] =	stream.indirect_vreg.gather [hbm4b:s3+s2], $0x80, v3, vm0, $0xb8;
	[tilespmem:$0x10100] =	vst v63  }
0x21c: {  	v3 =	vld [tilespmem:$0xE0];
	_ =	sdelay $0x4  }
0x21d: {  	v46 =	vshll.u32 v3, $0x1  }
0x21e: {  	v3 =	vand.u32 $0x7, v3;
	v4 =	vand.u32 $0xFFFFFFF0, v46  }
0x21f: {  	v3 =	vor.u32 v3, v4  }
0x220: {  	v4 =	vperm.xlane v3, v0;
	_ =	sdelay $0x1  }
0x221: {  	v3 =	vperm.xlane v3, v2;
	v4 =	vadd.s32 v1, v4;
	_ =	sdelay $0x1  }
0x222: {  	v3 =	vadd.s32 v1, v3;
	_ =	sdelay $0x1  }
0x223: {  	s31 =	simm.s32 $0xE100  }
0x224: {  	[tilespmem:s31], [sflag:$0x1] =	stream.indirect_vreg.gather [hbm4b:s3+s2], $0x80, v4, vm0, $0xb8;
	[tilespmem:$0x10100] =	vst v63  }
0x225: {  	s17 =	simm.s32 $0xE900  }
0x226: {  	[tilespmem:s17], [sflag:$0x1] =	stream.indirect_vreg.gather [hbm4b:s3+s2], $0x80, v3, vm0, $0xb8;
	[tilespmem:$0x10100] =	vst v63  }
0x227: {  	v3 =	vld [tilespmem:$0xF0];
	_ =	sdelay $0x4  }
0x228: {  	v47 =	vshll.u32 v3, $0x1  }
0x229: {  	v3 =	vand.u32 $0x7, v3;
	v4 =	vand.u32 $0xFFFFFFF0, v47  }
0x22a: {  	v3 =	vor.u32 v3, v4  }
0x22b: {  	v4 =	vperm.xlane v3, v0;
	_ =	sdelay $0x1  }
0x22c: {  	v3 =	vperm.xlane v3, v2;
	v4 =	vadd.s32 v1, v4;
	_ =	sdelay $0x1  }
0x22d: {  	v3 =	vadd.s32 v1, v3;
	_ =	sdelay $0x1  }
0x22e: {  	s24 =	simm.s32 $0xF100  }
0x22f: {  	[tilespmem:s24], [sflag:$0x1] =	stream.indirect_vreg.gather [hbm4b:s3+s2], $0x80, v4, vm0, $0xb8;
	[tilespmem:$0x10100] =	vst v63  }
0x230: {  	s24 =	simm.s32 $0xF900  }
0x231: {  	[tilespmem:s24], [sflag:$0x1] =	stream.indirect_vreg.gather [hbm4b:s3+s2], $0x80, v3, vm0, $0xb8;
	[tilespmem:$0x10100] =	vst v63  }
0x232: {  	_ =	swait.ge [sflag:s12], $0x10000  }
0x233: {  	[sflag:s12] =	ssyncset.done $0x0  }
0x234: {  	s13 =	rddreg [dreg:$0x8];
	[sflag:s12] =	ssyncadd.s32 $0xFFFF0000  }
0x235: {  	[hbm4b:s13+s2] =	stream.linear.scatter [tilespmem:s28], [sflag:$0x2], $0x10000, $0x38;
	[tilespmem:$0x10100] =	vst v63  }
0x236: {  	_ =	swait.ge [sflag:s5], $0x10000  }
0x237: {  	[sflag:s5] =	ssyncset.done $0x0  }
0x238: {  	s13 =	rddreg [dreg:$0x9];
	[sflag:s5] =	ssyncadd.s32 $0xFFFF0000  }
0x239: {  	[tilespmem:s2], [sflag:$0x2] =	stream.linear.gather [hbm4b:s13+s2], $0x100, $0x38;
	[tilespmem:$0x10100] =	vst v63  }
0x23a: {  	_ =	swait.ge [sflag:s5], $0x100  }
0x23b: {  	[sflag:s5] =	ssyncset.done $0x0  }
0x23c: {  	[sflag:s5] =	ssyncadd.s32 $0xFFFFFF00  }
0x23d: {  	v3 =	vld [tilespmem:$0x0];
	_ =	sdelay $0x4  }
0x23e: {  	v48 =	vshll.u32 v3, $0x1  }
0x23f: {  	v3 =	vand.u32 $0x7, v3;
	v4 =	vand.u32 $0xFFFFFFF0, v48  }
0x240: {  	v3 =	vor.u32 v3, v4  }
0x241: {  	v4 =	vperm.xlane v3, v0;
	_ =	sdelay $0x1  }
0x242: {  	v3 =	vperm.xlane v3, v2;
	v4 =	vadd.s32 v1, v4;
	_ =	sdelay $0x1  }
0x243: {  	v3 =	vadd.s32 v1, v3;
	_ =	sdelay $0x2  }
0x244: {  	[tilespmem:s28], [sflag:$0x1] =	stream.indirect_vreg.gather [hbm4b:s3+s2], $0x80, v4, vm0, $0xb8;
	[tilespmem:$0x10100] =	vst v63  }
0x245: {  	s13 =	simm.s32 $0x900  }
0x246: {  	[tilespmem:s13], [sflag:$0x1] =	stream.indirect_vreg.gather [hbm4b:s3+s2], $0x80, v3, vm0, $0xb8;
	[tilespmem:$0x10100] =	vst v63  }
0x247: {  	v3 =	vld [tilespmem:$0x10];
	_ =	sdelay $0x4  }
0x248: {  	v49 =	vshll.u32 v3, $0x1  }
0x249: {  	v3 =	vand.u32 $0x7, v3;
	v4 =	vand.u32 $0xFFFFFFF0, v49  }
0x24a: {  	v3 =	vor.u32 v3, v4  }
0x24b: {  	v4 =	vperm.xlane v3, v0;
	_ =	sdelay $0x1  }
0x24c: {  	v3 =	vperm.xlane v3, v2;
	v4 =	vadd.s32 v1, v4;
	_ =	sdelay $0x1  }
0x24d: {  	v3 =	vadd.s32 v1, v3;
	_ =	sdelay $0x1  }
0x24e: {  	s13 =	simm.s32 $0x1100  }
0x24f: {  	[tilespmem:s13], [sflag:$0x1] =	stream.indirect_vreg.gather [hbm4b:s3+s2], $0x80, v4, vm0, $0xb8;
	[tilespmem:$0x10100] =	vst v63  }
0x250: {  	s13 =	simm.s32 $0x1900  }
0x251: {  	[tilespmem:s13], [sflag:$0x1] =	stream.indirect_vreg.gather [hbm4b:s3+s2], $0x80, v3, vm0, $0xb8;
	[tilespmem:$0x10100] =	vst v63  }
0x252: {  	v3 =	vld [tilespmem:$0x20];
	_ =	sdelay $0x4  }
0x253: {  	v50 =	vshll.u32 v3, $0x1  }
0x254: {  	v3 =	vand.u32 $0x7, v3;
	v4 =	vand.u32 $0xFFFFFFF0, v50  }
0x255: {  	v3 =	vor.u32 v3, v4  }
0x256: {  	v4 =	vperm.xlane v3, v0;
	_ =	sdelay $0x1  }
0x257: {  	v3 =	vperm.xlane v3, v2;
	v4 =	vadd.s32 v1, v4;
	_ =	sdelay $0x1  }
0x258: {  	v3 =	vadd.s32 v1, v3;
	_ =	sdelay $0x1  }
0x259: {  	s6 =	simm.s32 $0x2100  }
0x25a: {  	[tilespmem:s6], [sflag:$0x1] =	stream.indirect_vreg.gather [hbm4b:s3+s2], $0x80, v4, vm0, $0xb8;
	[tilespmem:$0x10100] =	vst v63  }
0x25b: {  	s9 =	simm.s32 $0x2900  }
0x25c: {  	[tilespmem:s9], [sflag:$0x1] =	stream.indirect_vreg.gather [hbm4b:s3+s2], $0x80, v3, vm0, $0xb8;
	[tilespmem:$0x10100] =	vst v63  }
0x25d: {  	v3 =	vld [tilespmem:$0x30];
	_ =	sdelay $0x4  }
0x25e: {  	v51 =	vshll.u32 v3, $0x1  }
0x25f: {  	v3 =	vand.u32 $0x7, v3;
	v4 =	vand.u32 $0xFFFFFFF0, v51  }
0x260: {  	v3 =	vor.u32 v3, v4  }
0x261: {  	v4 =	vperm.xlane v3, v0;
	_ =	sdelay $0x1  }
0x262: {  	v3 =	vperm.xlane v3, v2;
	v4 =	vadd.s32 v1, v4;
	_ =	sdelay $0x1  }
0x263: {  	v3 =	vadd.s32 v1, v3;
	_ =	sdelay $0x1  }
0x264: {  	s9 =	simm.s32 $0x3100  }
0x265: {  	[tilespmem:s9], [sflag:$0x1] =	stream.indirect_vreg.gather [hbm4b:s3+s2], $0x80, v4, vm0, $0xb8;
	[tilespmem:$0x10100] =	vst v63  }
0x266: {  	s13 =	simm.s32 $0x3900  }
0x267: {  	[tilespmem:s13], [sflag:$0x1] =	stream.indirect_vreg.gather [hbm4b:s3+s2], $0x80, v3, vm0, $0xb8;
	[tilespmem:$0x10100] =	vst v63  }
0x268: {  	v3 =	vld [tilespmem:$0x40];
	_ =	sdelay $0x4  }
0x269: {  	v52 =	vshll.u32 v3, $0x1  }
0x26a: {  	v3 =	vand.u32 $0x7, v3;
	v4 =	vand.u32 $0xFFFFFFF0, v52  }
0x26b: {  	v3 =	vor.u32 v3, v4  }
0x26c: {  	v4 =	vperm.xlane v3, v0;
	_ =	sdelay $0x1  }
0x26d: {  	v3 =	vperm.xlane v3, v2;
	v4 =	vadd.s32 v1, v4;
	_ =	sdelay $0x1  }
0x26e: {  	v3 =	vadd.s32 v1, v3;
	_ =	sdelay $0x1  }
0x26f: {  	s26 =	simm.s32 $0x4100  }
0x270: {  	[tilespmem:s26], [sflag:$0x1] =	stream.indirect_vreg.gather [hbm4b:s3+s2], $0x80, v4, vm0, $0xb8;
	[tilespmem:$0x10100] =	vst v63  }
0x271: {  	s11 =	simm.s32 $0x4900  }
0x272: {  	[tilespmem:s11], [sflag:$0x1] =	stream.indirect_vreg.gather [hbm4b:s3+s2], $0x80, v3, vm0, $0xb8;
	[tilespmem:$0x10100] =	vst v63  }
0x273: {  	v3 =	vld [tilespmem:$0x50];
	_ =	sdelay $0x4  }
0x274: {  	v53 =	vshll.u32 v3, $0x1  }
0x275: {  	v3 =	vand.u32 $0x7, v3;
	v4 =	vand.u32 $0xFFFFFFF0, v53  }
0x276: {  	v3 =	vor.u32 v3, v4  }
0x277: {  	v4 =	vperm.xlane v3, v0;
	_ =	sdelay $0x1  }
0x278: {  	v3 =	vperm.xlane v3, v2;
	v4 =	vadd.s32 v1, v4;
	_ =	sdelay $0x1  }
0x279: {  	v3 =	vadd.s32 v1, v3;
	_ =	sdelay $0x1  }
0x27a: {  	s14 =	simm.s32 $0x5100  }
0x27b: {  	[tilespmem:s14], [sflag:$0x1] =	stream.indirect_vreg.gather [hbm4b:s3+s2], $0x80, v4, vm0, $0xb8;
	[tilespmem:$0x10100] =	vst v63  }
0x27c: {  	s15 =	simm.s32 $0x5900  }
0x27d: {  	[tilespmem:s15], [sflag:$0x1] =	stream.indirect_vreg.gather [hbm4b:s3+s2], $0x80, v3, vm0, $0xb8;
	[tilespmem:$0x10100] =	vst v63  }
0x27e: {  	v3 =	vld [tilespmem:$0x60];
	_ =	sdelay $0x4  }
0x27f: {  	v54 =	vshll.u32 v3, $0x1  }
0x280: {  	v3 =	vand.u32 $0x7, v3;
	v4 =	vand.u32 $0xFFFFFFF0, v54  }
0x281: {  	v3 =	vor.u32 v3, v4  }
0x282: {  	v4 =	vperm.xlane v3, v0;
	_ =	sdelay $0x1  }
0x283: {  	v3 =	vperm.xlane v3, v2;
	v4 =	vadd.s32 v1, v4;
	_ =	sdelay $0x1  }
0x284: {  	v3 =	vadd.s32 v1, v3;
	_ =	sdelay $0x1  }
0x285: {  	s16 =	simm.s32 $0x6100  }
0x286: {  	[tilespmem:s16], [sflag:$0x1] =	stream.indirect_vreg.gather [hbm4b:s3+s2], $0x80, v4, vm0, $0xb8;
	[tilespmem:$0x10100] =	vst v63  }
0x287: {  	s18 =	simm.s32 $0x6900  }
0x288: {  	[tilespmem:s18], [sflag:$0x1] =	stream.indirect_vreg.gather [hbm4b:s3+s2], $0x80, v3, vm0, $0xb8;
	[tilespmem:$0x10100] =	vst v63  }
0x289: {  	v3 =	vld [tilespmem:$0x70];
	_ =	sdelay $0x4  }
0x28a: {  	v55 =	vshll.u32 v3, $0x1  }
0x28b: {  	v3 =	vand.u32 $0x7, v3;
	v4 =	vand.u32 $0xFFFFFFF0, v55  }
0x28c: {  	v3 =	vor.u32 v3, v4  }
0x28d: {  	v4 =	vperm.xlane v3, v0;
	_ =	sdelay $0x1  }
0x28e: {  	v3 =	vperm.xlane v3, v2;
	v4 =	vadd.s32 v1, v4;
	_ =	sdelay $0x1  }
0x28f: {  	v3 =	vadd.s32 v1, v3;
	_ =	sdelay $0x1  }
0x290: {  	s19 =	simm.s32 $0x7100  }
0x291: {  	[tilespmem:s19], [sflag:$0x1] =	stream.indirect_vreg.gather [hbm4b:s3+s2], $0x80, v4, vm0, $0xb8;
	[tilespmem:$0x10100] =	vst v63  }
0x292: {  	s20 =	simm.s32 $0x7900  }
0x293: {  	[tilespmem:s20], [sflag:$0x1] =	stream.indirect_vreg.gather [hbm4b:s3+s2], $0x80, v3, vm0, $0xb8;
	[tilespmem:$0x10100] =	vst v63  }
0x294: {  	v3 =	vld [tilespmem:$0x80];
	_ =	sdelay $0x4  }
0x295: {  	v56 =	vshll.u32 v3, $0x1  }
0x296: {  	v3 =	vand.u32 $0x7, v3;
	v4 =	vand.u32 $0xFFFFFFF0, v56  }
0x297: {  	v3 =	vor.u32 v3, v4  }
0x298: {  	v4 =	vperm.xlane v3, v0;
	_ =	sdelay $0x1  }
0x299: {  	v3 =	vperm.xlane v3, v2;
	v4 =	vadd.s32 v1, v4;
	_ =	sdelay $0x1  }
0x29a: {  	v3 =	vadd.s32 v1, v3;
	_ =	sdelay $0x1  }
0x29b: {  	s21 =	simm.s32 $0x8100  }
0x29c: {  	[tilespmem:s21], [sflag:$0x1] =	stream.indirect_vreg.gather [hbm4b:s3+s2], $0x80, v4, vm0, $0xb8;
	[tilespmem:$0x10100] =	vst v63  }
0x29d: {  	s22 =	simm.s32 $0x8900  }
0x29e: {  	[tilespmem:s22], [sflag:$0x1] =	stream.indirect_vreg.gather [hbm4b:s3+s2], $0x80, v3, vm0, $0xb8;
	[tilespmem:$0x10100] =	vst v63  }
0x29f: {  	v3 =	vld [tilespmem:$0x90];
	_ =	sdelay $0x4  }
0x2a0: {  	v57 =	vshll.u32 v3, $0x1  }
0x2a1: {  	v3 =	vand.u32 $0x7, v3;
	v4 =	vand.u32 $0xFFFFFFF0, v57  }
0x2a2: {  	v3 =	vor.u32 v3, v4  }
0x2a3: {  	v4 =	vperm.xlane v3, v0;
	_ =	sdelay $0x1  }
0x2a4: {  	v3 =	vperm.xlane v3, v2;
	v4 =	vadd.s32 v1, v4;
	_ =	sdelay $0x1  }
0x2a5: {  	v3 =	vadd.s32 v1, v3;
	_ =	sdelay $0x1  }
0x2a6: {  	s0 =	simm.s32 $0x9100  }
0x2a7: {  	[tilespmem:s0], [sflag:$0x1] =	stream.indirect_vreg.gather [hbm4b:s3+s2], $0x80, v4, vm0, $0xb8;
	[tilespmem:$0x10100] =	vst v63  }
0x2a8: {  	s7 =	simm.s32 $0x9900  }
0x2a9: {  	[tilespmem:s7], [sflag:$0x1] =	stream.indirect_vreg.gather [hbm4b:s3+s2], $0x80, v3, vm0, $0xb8;
	[tilespmem:$0x10100] =	vst v63  }
0x2aa: {  	v3 =	vld [tilespmem:$0xA0];
	_ =	sdelay $0x4  }
0x2ab: {  	v58 =	vshll.u32 v3, $0x1  }
0x2ac: {  	v3 =	vand.u32 $0x7, v3;
	v4 =	vand.u32 $0xFFFFFFF0, v58  }
0x2ad: {  	v3 =	vor.u32 v3, v4  }
0x2ae: {  	v4 =	vperm.xlane v3, v0;
	_ =	sdelay $0x1  }
0x2af: {  	v3 =	vperm.xlane v3, v2;
	v4 =	vadd.s32 v1, v4;
	_ =	sdelay $0x1  }
0x2b0: {  	v3 =	vadd.s32 v1, v3;
	_ =	sdelay $0x1  }
0x2b1: {  	s1 =	simm.s32 $0xA100  }
0x2b2: {  	[tilespmem:s1], [sflag:$0x1] =	stream.indirect_vreg.gather [hbm4b:s3+s2], $0x80, v4, vm0, $0xb8;
	[tilespmem:$0x10100] =	vst v63  }
0x2b3: {  	s8 =	simm.s32 $0xA900  }
0x2b4: {  	[tilespmem:s8], [sflag:$0x1] =	stream.indirect_vreg.gather [hbm4b:s3+s2], $0x80, v3, vm0, $0xb8;
	[tilespmem:$0x10100] =	vst v63  }
0x2b5: {  	v3 =	vld [tilespmem:$0xB0];
	_ =	sdelay $0x4  }
0x2b6: {  	v59 =	vshll.u32 v3, $0x1  }
0x2b7: {  	v3 =	vand.u32 $0x7, v3;
	v4 =	vand.u32 $0xFFFFFFF0, v59  }
0x2b8: {  	v3 =	vor.u32 v3, v4  }
0x2b9: {  	v4 =	vperm.xlane v3, v0;
	_ =	sdelay $0x1  }
0x2ba: {  	v3 =	vperm.xlane v3, v2;
	v4 =	vadd.s32 v1, v4;
	_ =	sdelay $0x1  }
0x2bb: {  	v3 =	vadd.s32 v1, v3;
	_ =	sdelay $0x1  }
0x2bc: {  	s23 =	simm.s32 $0xB100  }
0x2bd: {  	[tilespmem:s23], [sflag:$0x1] =	stream.indirect_vreg.gather [hbm4b:s3+s2], $0x80, v4, vm0, $0xb8;
	[tilespmem:$0x10100] =	vst v63  }
0x2be: {  	s10 =	simm.s32 $0xB900  }
0x2bf: {  	[tilespmem:s10], [sflag:$0x1] =	stream.indirect_vreg.gather [hbm4b:s3+s2], $0x80, v3, vm0, $0xb8;
	[tilespmem:$0x10100] =	vst v63  }
0x2c0: {  	v3 =	vld [tilespmem:$0xC0];
	_ =	sdelay $0x4  }
0x2c1: {  	v60 =	vshll.u32 v3, $0x1  }
0x2c2: {  	v3 =	vand.u32 $0x7, v3;
	v4 =	vand.u32 $0xFFFFFFF0, v60  }
0x2c3: {  	v3 =	vor.u32 v3, v4  }
0x2c4: {  	v4 =	vperm.xlane v3, v0;
	_ =	sdelay $0x1  }
0x2c5: {  	v3 =	vperm.xlane v3, v2;
	v4 =	vadd.s32 v1, v4;
	_ =	sdelay $0x1  }
0x2c6: {  	v3 =	vadd.s32 v1, v3;
	_ =	sdelay $0x1  }
0x2c7: {  	s25 =	simm.s32 $0xC100  }
0x2c8: {  	[tilespmem:s25], [sflag:$0x1] =	stream.indirect_vreg.gather [hbm4b:s3+s2], $0x80, v4, vm0, $0xb8;
	[tilespmem:$0x10100] =	vst v63  }
0x2c9: {  	s29 =	simm.s32 $0xC900  }
0x2ca: {  	[tilespmem:s29], [sflag:$0x1] =	stream.indirect_vreg.gather [hbm4b:s3+s2], $0x80, v3, vm0, $0xb8;
	[tilespmem:$0x10100] =	vst v63  }
0x2cb: {  	v3 =	vld [tilespmem:$0xD0];
	_ =	sdelay $0x4  }
0x2cc: {  	v61 =	vshll.u32 v3, $0x1  }
0x2cd: {  	v3 =	vand.u32 $0x7, v3;
	v4 =	vand.u32 $0xFFFFFFF0, v61  }
0x2ce: {  	v3 =	vor.u32 v3, v4  }
0x2cf: {  	v4 =	vperm.xlane v3, v0;
	_ =	sdelay $0x1  }
0x2d0: {  	v3 =	vperm.xlane v3, v2;
	v4 =	vadd.s32 v1, v4;
	_ =	sdelay $0x1  }
0x2d1: {  	v3 =	vadd.s32 v1, v3;
	_ =	sdelay $0x1  }
0x2d2: {  	s30 =	simm.s32 $0xD100  }
0x2d3: {  	[tilespmem:s30], [sflag:$0x1] =	stream.indirect_vreg.gather [hbm4b:s3+s2], $0x80, v4, vm0, $0xb8;
	[tilespmem:$0x10100] =	vst v63  }
0x2d4: {  	s29 =	simm.s32 $0xD900  }
0x2d5: {  	[tilespmem:s29], [sflag:$0x1] =	stream.indirect_vreg.gather [hbm4b:s3+s2], $0x80, v3, vm0, $0xb8;
	[tilespmem:$0x10100] =	vst v63  }
0x2d6: {  	v3 =	vld [tilespmem:$0xE0];
	_ =	sdelay $0x4  }
0x2d7: {  	v62 =	vshll.u32 v3, $0x1  }
0x2d8: {  	v3 =	vand.u32 $0x7, v3;
	v4 =	vand.u32 $0xFFFFFFF0, v62  }
0x2d9: {  	v3 =	vor.u32 v3, v4  }
0x2da: {  	v4 =	vperm.xlane v3, v0;
	_ =	sdelay $0x1  }
0x2db: {  	v3 =	vperm.xlane v3, v2;
	v4 =	vadd.s32 v1, v4;
	_ =	sdelay $0x1  }
0x2dc: {  	v3 =	vadd.s32 v1, v3;
	_ =	sdelay $0x1  }
0x2dd: {  	s31 =	simm.s32 $0xE100  }
0x2de: {  	[tilespmem:s31], [sflag:$0x1] =	stream.indirect_vreg.gather [hbm4b:s3+s2], $0x80, v4, vm0, $0xb8;
	[tilespmem:$0x10100] =	vst v63  }
0x2df: {  	s30 =	simm.s32 $0xE900  }
0x2e0: {  	[tilespmem:s30], [sflag:$0x1] =	stream.indirect_vreg.gather [hbm4b:s3+s2], $0x80, v3, vm0, $0xb8;
	[tilespmem:$0x10100] =	vst v63  }
0x2e1: {  	v3 =	vld [tilespmem:$0xF0];
	_ =	sdelay $0x4  }
0x2e2: {  	v63 =	vshll.u32 v3, $0x1  }
0x2e3: {  	v3 =	vand.u32 $0x7, v3;
	v4 =	vand.u32 $0xFFFFFFF0, v63  }
0x2e4: {  	v3 =	vor.u32 v3, v4  }
0x2e5: {  	v4 =	vperm.xlane v3, v0;
	_ =	sdelay $0x1  }
0x2e6: {  	v3 =	vperm.xlane v3, v2;
	v4 =	vadd.s32 v1, v4;
	_ =	sdelay $0x1  }
0x2e7: {  	v3 =	vadd.s32 v1, v3;
	_ =	sdelay $0x1  }
0x2e8: {  	s17 =	simm.s32 $0xF100  }
0x2e9: {  	[tilespmem:s17], [sflag:$0x1] =	stream.indirect_vreg.gather [hbm4b:s3+s2], $0x80, v4, vm0, $0xb8;
	[tilespmem:$0x10100] =	vst v63  }
0x2ea: {  	s24 =	simm.s32 $0xF900  }
0x2eb: {  	[tilespmem:s24], [sflag:$0x1] =	stream.indirect_vreg.gather [hbm4b:s3+s2], $0x80, v3, vm0, $0xb8;
	[tilespmem:$0x10100] =	vst v63  }
0x2ec: {  	_ =	swait.ge [sflag:s12], $0x10000  }
0x2ed: {  	p0 =	sne.s32 s4, $0x1;
	[sflag:s12] =	ssyncset.done $0x0  }
.Ltmp0:
0x2ee: {  	s31 =	rddreg [dreg:$0xa];
	[sflag:s12] =	ssyncadd.s32 $0xFFFF0000;
	(pc) =	sbr.rel @p0 .LBB2_1-.Ltmp0, $4  }
0x2ef: {  	[hbm4b:s31+s2] =	stream.linear.scatter [tilespmem:s28], [sflag:$0x2], $0x10000, $0x38;
	[tilespmem:$0x10100] =	vst v63  }
0x2f0: {  	_ =	swait.ge [sflag:s5], $0x10000  }
0x2f1: {  	[sflag:s5] =	ssyncset.done $0x0  }
0x2f2: {  	s4 =	sadd.s32 $0xFFFFFFFF, s4;
	[sflag:s5] =	ssyncadd.s32 $0xFFFF0000  }
0x2f3: {  	_ =	sfence.sel $0x180000  }
0x2f4: {  	[bflag:$0x0] =	sbarrier.arrive $0xFFFF  }
0x2f5: {  	_ =	strace $0x90000047  }
0x2f6: {  	s0 =	stileid.u32;
	[bflag:$0x2] =	sbarrier.arrive $0xFFFF  }
0x2f7: {  	p0 =	sne.s32 s0, $0x0;
	s0 =	rddreg [dreg:$0x2]  }
0x2f8: {  	s0 =	sadd.s32 @!p0 $0x100000, s0  }
0x2f9: {  	[sflag:s0] =	ssyncadd.tile.s32 @!p0 $0x1;
	_ =	shalt  }
.Lfunc_end2:
_tile_overlayer_lowered:
.L_overlay_start_2:
0x2fa: {  	(tag) =	ssettag $0x2  }
0x2fb: {  	s0 =	rddreg [dreg:$0x0];
	s2 =	stileid.u32  }
0x2fc: {  	s1 =	rddreg [dreg:$0x1];
	p0 =	sne.s32 s2, $0x0  }
0x2fd: {  	s3 =	rddreg [dreg:$0x2];
	[bflag:$0x3] =	sbarrier.arrive $0xFFFF;
	s2 =	simm.s32 @!p0 $0x1C02  }
0x2fe: {  	[timem:s3], [sflag:s2] =	dma.local @!p0 [hbm:s0], s1  }
0x2ff: {  	s0 =	simm.s32 @!p0 $0x2  }
0x300: {  	_ =	swait.ge @!p0 [sflag:s0], s1  }
0x301: {  	s1 =	ssub.s32 @!p0 $0x0, s1;
	[sflag:s0] =	ssyncset.done @!p0 $0x0  }
0x302: {  	[sflag:s0] =	ssyncadd.s32 @!p0 s1  }
0x303: {  	[bflag:$0x3] =	sbarrier.arrive $0xFFFF  }
0x304: {  	_ =	shalt  }

</sc_bundles>
